<compile_context>
chip_gen: v7x
topology: tpu7x:2x2x1
jax: 0.10.2.dev20260603
libtpu: 0.0.44.dev20260713+nightly
codegen_flags: <defaults>
</compile_context>

<pallas_src>
import functools

import jax
import jax.numpy as jnp
from jax import lax
from jax.experimental import pallas as pl
from jax.experimental.pallas import tpu as pltpu
from jax.experimental.pallas import tpu_sc as plsc

_TB = 20.0
_NK = 16
_NPOS = 64


def _prep_body(w_ref, h_ref, d_ref, o_ref):
    w = w_ref[...]
    h = h_ref[...]
    d = d_ref[...]

    def _softmax(a):
        m = jnp.max(a, axis=-1, keepdims=True)
        e = jnp.exp(a - m)
        return e / jnp.sum(e, axis=-1, keepdims=True)

    W = 2.0 * _TB * _softmax(w)
    H = 2.0 * _TB * _softmax(h)
    sp = jnp.maximum(d, 0.0) + jnp.log(1.0 + jnp.exp(-jnp.abs(d)))

    def _knots(vals):
        cols = [jnp.full((_NPOS, 1), -_TB, jnp.float32)]
        acc = jnp.zeros((_NPOS, 1), jnp.float32)
        for k in range(_NK - 1):
            acc = acc + vals[:, k:k + 1]
            cols.append(acc - _TB)
        cols.append(jnp.full((_NPOS, 1), _TB, jnp.float32))
        return jnp.concatenate(cols, axis=-1)

    cumW = _knots(W)
    cumH = _knots(H)
    widths = cumW[:, 1:] - cumW[:, :-1]
    heights = cumH[:, 1:] - cumH[:, :-1]
    ones = jnp.ones((_NPOS, 1), jnp.float32)
    derivs = jnp.concatenate([ones, sp, ones], axis=-1)

    o_ref[0] = cumW[:, :_NK]
    o_ref[1] = 1.0 / widths
    o_ref[2] = cumH[:, :_NK]
    o_ref[3] = heights
    o_ref[4] = derivs[:, :_NK]
    o_ref[5] = derivs[:, 1:]


_prep = pl.pallas_call(
    _prep_body,
    out_shape=jax.ShapeDtypeStruct((6, _NPOS, _NK), jnp.float32),
)


def _fast_log(y):
    bits = lax.bitcast_convert_type(y, jnp.int32)
    e = lax.shift_right_arithmetic(bits, 23) - 127
    m_bits = jnp.bitwise_or(jnp.bitwise_and(bits, 0x007FFFFF), 0x3F800000)
    m = lax.bitcast_convert_type(m_bits, jnp.float32)
    s = (m - 1.0) / (m + 1.0)
    s2 = s * s
    p = s * (2.0 + s2 * (0.6666666865 + s2 * 0.4000000060))
    return p + e.astype(jnp.float32) * 0.6931471805599453


def _make_sc_eval(n):
    info = plsc.get_sparse_core_info()
    nc, ns = info.num_cores, info.num_subcores
    nw = nc * ns
    assert n % (nw * 16) == 0
    ch = n // nw
    mesh = plsc.VectorSubcoreMesh(core_axis_name="c", subcore_axis_name="s")

    @functools.partial(
        pl.kernel,
        out_type=(jax.ShapeDtypeStruct((n,), jnp.float32),
                  jax.ShapeDtypeStruct((n,), jnp.float32)),
        mesh=mesh,
        scratch_types=(
            [pltpu.VMEM((ch,), jnp.float32) for _ in range(3)]
            + [pltpu.VMEM((_NPOS * _NK,), jnp.float32) for _ in range(6)]
        ),
        compiler_params=pltpu.CompilerParams(needs_layout_passes=False),
    )
    def _sc_eval(x_hbm, tbl_hbm, z_hbm, ld_hbm,
                 xbuf, zbuf, ldbuf, t_cw, t_iw, t_ch, t_h, t_d0, t_d1):
        wid = lax.axis_index("s") * nc + lax.axis_index("c")
        base = wid * ch
        pltpu.sync_copy(x_hbm.at[pl.ds(base, ch)], xbuf)
        for i, t in enumerate((t_cw, t_iw, t_ch, t_h, t_d0, t_d1)):
            pltpu.sync_copy(tbl_hbm.at[pl.ds(i * _NPOS * _NK, _NPOS * _NK)], t)
        lanes16 = lax.shift_left(lax.iota(jnp.int32, 16), 4)

        @plsc.parallel_loop(0, ch, step=16, unroll=5)
        def _body(off):
            xv = xbuf[pl.ds(off, 16)]
            soff = lax.shift_left(jnp.bitwise_and(off, _NPOS - 1), 4)
            row = jnp.bitwise_and(lanes16 + soff, (_NPOS - 1) * _NK)
            xc = jnp.clip(xv, -_TB, _TB)
            inside = xc == xv
            idx = jnp.zeros((16,), jnp.int32)
            in_cw = jnp.full((16,), -_TB, jnp.float32)
            for step in (8, 4, 2, 1):
                cand = idx + step
                c = plsc.load_gather(t_cw, [row + cand])
                ge = xc >= c
                idx = jnp.where(ge, cand, idx)
                in_cw = jnp.where(ge, c, in_cw)
            fi = row + idx
            invw = plsc.load_gather(t_iw, [fi])
            in_ch = plsc.load_gather(t_ch, [fi])
            in_h = plsc.load_gather(t_h, [fi])
            d0 = plsc.load_gather(t_d0, [fi])
            d1 = plsc.load_gather(t_d1, [fi])
            dl = in_h * invw

            theta = (xc - in_cw) * invw
            om = 1.0 - theta
            t1m = theta * om
            th2 = theta * theta
            den = dl + (d0 + d1 - 2.0 * dl) * t1m
            rden = 1.0 / den
            num = in_h * (dl * th2 + d0 * t1m)
            z_in = in_ch + num * rden
            dnum = (dl * dl) * (d1 * th2 + 2.0 * dl * t1m + d0 * om * om)
            ld_in = _fast_log(dnum * rden * rden)

            zbuf[pl.ds(off, 16)] = jnp.where(inside, z_in, xv)
            ldbuf[pl.ds(off, 16)] = jnp.where(inside, ld_in, 0.0)

        pltpu.sync_copy(zbuf, z_hbm.at[pl.ds(base, ch)])
        pltpu.sync_copy(ldbuf, ld_hbm.at[pl.ds(base, ch)])

    return _sc_eval


def kernel(x, w, h, d):
    n = x.size
    tables = _prep(w.reshape(_NPOS, _NK), h.reshape(_NPOS, _NK),
                   d.reshape(_NPOS, _NK - 1)).reshape(6 * _NPOS * _NK)
    x_lin = lax.optimization_barrier(x.reshape(x.shape[0], _NPOS)).reshape(n)
    z_lin, ld_lin = _make_sc_eval(n)(x_lin, tables)
    z64 = lax.optimization_barrier(z_lin.reshape(x.shape[0], _NPOS))
    ld64 = lax.optimization_barrier(ld_lin.reshape(x.shape[0], _NPOS))
    return z64.reshape(x.shape), ld64.reshape(x.shape)

# --- scband reference (transcript-rebuilt; emitter-appended) ---
"""Pipeline reference for scband-rqsplines-74972949119217 (READ-ONLY COPY).

The authoritative reference and input builder live on the scoring server;
editing this copy changes nothing except your own understanding.
"""

import jax, jax.numpy as jnp
import numpy as np

B_BOUND = 20.0


def setup_inputs(seed: int = 0):
    key = jax.random.key(seed)
    k1, k2, k3, k4 = jax.random.split(key, 4)
    x = jax.random.normal(k1, (16384, 8, 8), dtype=jnp.float32)
    w = jax.random.normal(k2, (8, 8, 16), dtype=jnp.float32)
    h = jax.random.normal(k3, (8, 8, 16), dtype=jnp.float32)
    d = jax.random.normal(k4, (8, 8, 15), dtype=jnp.float32)
    return {"x": x, "w": w, "h": h, "d": d}


def _rqs_forward(x, w, h, d, tail_bound):
    # Faithful translation of rqsplines.forward(inverse=False):
    # tile learned params over batch, softmax widths/heights scaled to 2*B,
    # softplus derivatives, then unconstrained rational-quadratic spline with
    # linear tails outside [-B, B] (boundary knot derivatives = 1).
    batch = x.shape[0]
    nK = w.shape[-1]
    W = jnp.tile(w[None, :, :, :], (batch, 1, 1, 1))
    H = jnp.tile(h[None, :, :, :], (batch, 1, 1, 1))
    D = jnp.tile(d[None, :, :, :], (batch, 1, 1, 1))
    W = 2.0 * tail_bound * jax.nn.softmax(W, axis=-1)
    H = 2.0 * tail_bound * jax.nn.softmax(H, axis=-1)
    D = jax.nn.softplus(D)
    zeros = jnp.zeros(W.shape[:-1] + (1,), dtype=W.dtype)
    cumW = jnp.concatenate([zeros, jnp.cumsum(W, axis=-1)], axis=-1) - tail_bound
    cumW = cumW.at[..., 0].set(-tail_bound)
    cumW = cumW.at[..., -1].set(tail_bound)
    widths = cumW[..., 1:] - cumW[..., :-1]
    cumH = jnp.concatenate([zeros, jnp.cumsum(H, axis=-1)], axis=-1) - tail_bound
    cumH = cumH.at[..., 0].set(-tail_bound)
    cumH = cumH.at[..., -1].set(tail_bound)
    heights = cumH[..., 1:] - cumH[..., :-1]
    ones = jnp.ones(D.shape[:-1] + (1,), dtype=D.dtype)
    derivs = jnp.concatenate([ones, D, ones], axis=-1)
    inside = (x >= -tail_bound) & (x <= tail_bound)
    xc = jnp.clip(x, -tail_bound, tail_bound)
    # histogram binning: searchsorted over knot locations
    idx = jnp.clip(jnp.sum((xc[..., None] >= cumW).astype(jnp.int32), axis=-1) - 1, 0, nK - 1)

    def gat(t, i):
        return jnp.take_along_axis(t, i[..., None], axis=-1)[..., 0]

    in_cw = gat(cumW, idx)
    in_w = gat(widths, idx)
    in_ch = gat(cumH, idx)
    in_h = gat(heights, idx)
    delta = heights / widths
    in_delta = gat(delta, idx)
    d0 = gat(derivs, idx)
    d1 = gat(derivs, idx + 1)
    theta = (xc - in_cw) / in_w
    t1m = theta * (1.0 - theta)
    numerator = in_h * (in_delta * theta ** 2 + d0 * t1m)
    denominator = in_delta + (d0 + d1 - 2.0 * in_delta) * t1m
    z_in = in_ch + numerator / denominator
    dnum = in_delta ** 2 * (d1 * theta ** 2 + 2.0 * in_delta * t1m + d0 * (1.0 - theta) ** 2)
    ld_in = jnp.log(dnum) - 2.0 * jnp.log(denominator)
    z = jnp.where(inside, z_in, x)
    ld = jnp.where(inside, ld_in, jnp.zeros_like(x))
    return z, ld


def reference(x, w, h, d):
    return _rqs_forward(x, w, h, d, B_BOUND)

if __name__ == "__main__":
    import jax
    _d = setup_inputs()
    print(jax.jit(kernel)(*tuple(_d.values())))

</pallas_src>

<mosaic_0001>
#map = affine_map<(d0, d1) -> (0)>
module attributes {stable_mosaic.version = 14 : i64} {
  func.func @_sc_eval(%arg0: i32, %arg1: i32, %arg2: memref<1048576xf32, #tpu.memory_space<hbm>>, %arg3: memref<6144xf32, #tpu.memory_space<hbm>>, %arg4: memref<1048576xf32, #tpu.memory_space<hbm>>, %arg5: memref<1048576xf32, #tpu.memory_space<hbm>>, %arg6: memref<32768xf32, #tpu.memory_space<vmem>>, %arg7: memref<32768xf32, #tpu.memory_space<vmem>>, %arg8: memref<32768xf32, #tpu.memory_space<vmem>>, %arg9: memref<1024xf32, #tpu.memory_space<vmem>>, %arg10: memref<1024xf32, #tpu.memory_space<vmem>>, %arg11: memref<1024xf32, #tpu.memory_space<vmem>>, %arg12: memref<1024xf32, #tpu.memory_space<vmem>>, %arg13: memref<1024xf32, #tpu.memory_space<vmem>>, %arg14: memref<1024xf32, #tpu.memory_space<vmem>>) attributes {dimension_semantics = [#tpu.dimension_semantics<core_parallel>, #tpu.dimension_semantics<subcore_parallel>], iteration_bounds = array<i64: 2, 16>, scalar_prefetch = 0 : i64, scratch_operands = 9 : i64, tpu.core_type = #tpu.core_type<sc_vector_subcore>, window_params = [{transform_indices = #map}, {transform_indices = #map}, {transform_indices = #map}, {transform_indices = #map}]} {
    %mul3A = arith.constant 2 : i32
    %mul3A_0 = arith.muli %arg1, %mul3A : i32
    %add3A = arith.addi %mul3A_0, %arg0 : i32
    %mul3A_1 = arith.constant 32768 : i32
    %mul3A_2 = arith.muli %add3A, %mul3A_1 : i32
    "tpu.region"() ({
      %run_scoped3A = tpu.sem_alloc : memref<!tpu.dma_semaphore, #tpu.memory_space<semaphore_mem>>
      %dma_start3A = tpu.memref_slice %arg2[%mul3A_2] : memref<1048576xf32, #tpu.memory_space<hbm>> -> memref<32768xf32, #tpu.memory_space<hbm>>
      %dma_start3A_7 = tpu.memref_slice %arg2[%mul3A_2] : memref<1048576xf32, #tpu.memory_space<hbm>> -> memref<32768xf32, #tpu.memory_space<hbm>>
      tpu.enqueue_dma source(%dma_start3A_7 : memref<32768xf32, #tpu.memory_space<hbm>>) target(%arg6 : memref<32768xf32, #tpu.memory_space<vmem>>) target_semaphore(%run_scoped3A : memref<!tpu.dma_semaphore, #tpu.memory_space<semaphore_mem>>)
      %dma_wait3A = tpu.memref_slice %arg2[%mul3A_2] : memref<1048576xf32, #tpu.memory_space<hbm>> -> memref<32768xf32, #tpu.memory_space<hbm>>
      %dma_wait3A_8 = tpu.memref_slice %arg2[%mul3A_2] : memref<1048576xf32, #tpu.memory_space<hbm>> -> memref<32768xf32, #tpu.memory_space<hbm>>
      tpu.wait_dma2 semaphore(%run_scoped3A : memref<!tpu.dma_semaphore, #tpu.memory_space<semaphore_mem>>) src(%dma_wait3A_8 : memref<32768xf32, #tpu.memory_space<hbm>>) dst(%arg6 : memref<32768xf32, #tpu.memory_space<vmem>>)
      tpu.yield
    }) : () -> ()
    "tpu.region"() ({
      %run_scoped3A = tpu.sem_alloc : memref<!tpu.dma_semaphore, #tpu.memory_space<semaphore_mem>>
      %dma_start3A = arith.constant 0 : i32
      %dma_start3A_7 = tpu.memref_slice %arg3[%dma_start3A] : memref<6144xf32, #tpu.memory_space<hbm>> -> memref<1024xf32, #tpu.memory_space<hbm>>
      %dma_start3A_8 = arith.constant 0 : i32
      %dma_start3A_9 = tpu.memref_slice %arg3[%dma_start3A_8] : memref<6144xf32, #tpu.memory_space<hbm>> -> memref<1024xf32, #tpu.memory_space<hbm>>
      tpu.enqueue_dma source(%dma_start3A_9 : memref<1024xf32, #tpu.memory_space<hbm>>) target(%arg9 : memref<1024xf32, #tpu.memory_space<vmem>>) target_semaphore(%run_scoped3A : memref<!tpu.dma_semaphore, #tpu.memory_space<semaphore_mem>>)
      %dma_wait3A = arith.constant 0 : i32
      %dma_wait3A_10 = tpu.memref_slice %arg3[%dma_wait3A] : memref<6144xf32, #tpu.memory_space<hbm>> -> memref<1024xf32, #tpu.memory_space<hbm>>
      %dma_wait3A_11 = arith.constant 0 : i32
      %dma_wait3A_12 = tpu.memref_slice %arg3[%dma_wait3A_11] : memref<6144xf32, #tpu.memory_space<hbm>> -> memref<1024xf32, #tpu.memory_space<hbm>>
      tpu.wait_dma2 semaphore(%run_scoped3A : memref<!tpu.dma_semaphore, #tpu.memory_space<semaphore_mem>>) src(%dma_wait3A_12 : memref<1024xf32, #tpu.memory_space<hbm>>) dst(%arg9 : memref<1024xf32, #tpu.memory_space<vmem>>)
      tpu.yield
    }) : () -> ()
    "tpu.region"() ({
      %run_scoped3A = tpu.sem_alloc : memref<!tpu.dma_semaphore, #tpu.memory_space<semaphore_mem>>
      %dma_start3A = arith.constant 1024 : i32
      %dma_start3A_7 = tpu.memref_slice %arg3[%dma_start3A] : memref<6144xf32, #tpu.memory_space<hbm>> -> memref<1024xf32, #tpu.memory_space<hbm>>
      %dma_start3A_8 = arith.constant 1024 : i32
      %dma_start3A_9 = tpu.memref_slice %arg3[%dma_start3A_8] : memref<6144xf32, #tpu.memory_space<hbm>> -> memref<1024xf32, #tpu.memory_space<hbm>>
      tpu.enqueue_dma source(%dma_start3A_9 : memref<1024xf32, #tpu.memory_space<hbm>>) target(%arg10 : memref<1024xf32, #tpu.memory_space<vmem>>) target_semaphore(%run_scoped3A : memref<!tpu.dma_semaphore, #tpu.memory_space<semaphore_mem>>)
      %dma_wait3A = arith.constant 1024 : i32
      %dma_wait3A_10 = tpu.memref_slice %arg3[%dma_wait3A] : memref<6144xf32, #tpu.memory_space<hbm>> -> memref<1024xf32, #tpu.memory_space<hbm>>
      %dma_wait3A_11 = arith.constant 1024 : i32
      %dma_wait3A_12 = tpu.memref_slice %arg3[%dma_wait3A_11] : memref<6144xf32, #tpu.memory_space<hbm>> -> memref<1024xf32, #tpu.memory_space<hbm>>
      tpu.wait_dma2 semaphore(%run_scoped3A : memref<!tpu.dma_semaphore, #tpu.memory_space<semaphore_mem>>) src(%dma_wait3A_12 : memref<1024xf32, #tpu.memory_space<hbm>>) dst(%arg10 : memref<1024xf32, #tpu.memory_space<vmem>>)
      tpu.yield
    }) : () -> ()
    "tpu.region"() ({
      %run_scoped3A = tpu.sem_alloc : memref<!tpu.dma_semaphore, #tpu.memory_space<semaphore_mem>>
      %dma_start3A = arith.constant 2048 : i32
      %dma_start3A_7 = tpu.memref_slice %arg3[%dma_start3A] : memref<6144xf32, #tpu.memory_space<hbm>> -> memref<1024xf32, #tpu.memory_space<hbm>>
      %dma_start3A_8 = arith.constant 2048 : i32
      %dma_start3A_9 = tpu.memref_slice %arg3[%dma_start3A_8] : memref<6144xf32, #tpu.memory_space<hbm>> -> memref<1024xf32, #tpu.memory_space<hbm>>
      tpu.enqueue_dma source(%dma_start3A_9 : memref<1024xf32, #tpu.memory_space<hbm>>) target(%arg11 : memref<1024xf32, #tpu.memory_space<vmem>>) target_semaphore(%run_scoped3A : memref<!tpu.dma_semaphore, #tpu.memory_space<semaphore_mem>>)
      %dma_wait3A = arith.constant 2048 : i32
      %dma_wait3A_10 = tpu.memref_slice %arg3[%dma_wait3A] : memref<6144xf32, #tpu.memory_space<hbm>> -> memref<1024xf32, #tpu.memory_space<hbm>>
      %dma_wait3A_11 = arith.constant 2048 : i32
      %dma_wait3A_12 = tpu.memref_slice %arg3[%dma_wait3A_11] : memref<6144xf32, #tpu.memory_space<hbm>> -> memref<1024xf32, #tpu.memory_space<hbm>>
      tpu.wait_dma2 semaphore(%run_scoped3A : memref<!tpu.dma_semaphore, #tpu.memory_space<semaphore_mem>>) src(%dma_wait3A_12 : memref<1024xf32, #tpu.memory_space<hbm>>) dst(%arg11 : memref<1024xf32, #tpu.memory_space<vmem>>)
      tpu.yield
    }) : () -> ()
    "tpu.region"() ({
      %run_scoped3A = tpu.sem_alloc : memref<!tpu.dma_semaphore, #tpu.memory_space<semaphore_mem>>
      %dma_start3A = arith.constant 3072 : i32
      %dma_start3A_7 = tpu.memref_slice %arg3[%dma_start3A] : memref<6144xf32, #tpu.memory_space<hbm>> -> memref<1024xf32, #tpu.memory_space<hbm>>
      %dma_start3A_8 = arith.constant 3072 : i32
      %dma_start3A_9 = tpu.memref_slice %arg3[%dma_start3A_8] : memref<6144xf32, #tpu.memory_space<hbm>> -> memref<1024xf32, #tpu.memory_space<hbm>>
      tpu.enqueue_dma source(%dma_start3A_9 : memref<1024xf32, #tpu.memory_space<hbm>>) target(%arg12 : memref<1024xf32, #tpu.memory_space<vmem>>) target_semaphore(%run_scoped3A : memref<!tpu.dma_semaphore, #tpu.memory_space<semaphore_mem>>)
      %dma_wait3A = arith.constant 3072 : i32
      %dma_wait3A_10 = tpu.memref_slice %arg3[%dma_wait3A] : memref<6144xf32, #tpu.memory_space<hbm>> -> memref<1024xf32, #tpu.memory_space<hbm>>
      %dma_wait3A_11 = arith.constant 3072 : i32
      %dma_wait3A_12 = tpu.memref_slice %arg3[%dma_wait3A_11] : memref<6144xf32, #tpu.memory_space<hbm>> -> memref<1024xf32, #tpu.memory_space<hbm>>
      tpu.wait_dma2 semaphore(%run_scoped3A : memref<!tpu.dma_semaphore, #tpu.memory_space<semaphore_mem>>) src(%dma_wait3A_12 : memref<1024xf32, #tpu.memory_space<hbm>>) dst(%arg12 : memref<1024xf32, #tpu.memory_space<vmem>>)
      tpu.yield
    }) : () -> ()
    "tpu.region"() ({
      %run_scoped3A = tpu.sem_alloc : memref<!tpu.dma_semaphore, #tpu.memory_space<semaphore_mem>>
      %dma_start3A = arith.constant 4096 : i32
      %dma_start3A_7 = tpu.memref_slice %arg3[%dma_start3A] : memref<6144xf32, #tpu.memory_space<hbm>> -> memref<1024xf32, #tpu.memory_space<hbm>>
      %dma_start3A_8 = arith.constant 4096 : i32
      %dma_start3A_9 = tpu.memref_slice %arg3[%dma_start3A_8] : memref<6144xf32, #tpu.memory_space<hbm>> -> memref<1024xf32, #tpu.memory_space<hbm>>
      tpu.enqueue_dma source(%dma_start3A_9 : memref<1024xf32, #tpu.memory_space<hbm>>) target(%arg13 : memref<1024xf32, #tpu.memory_space<vmem>>) target_semaphore(%run_scoped3A : memref<!tpu.dma_semaphore, #tpu.memory_space<semaphore_mem>>)
      %dma_wait3A = arith.constant 4096 : i32
      %dma_wait3A_10 = tpu.memref_slice %arg3[%dma_wait3A] : memref<6144xf32, #tpu.memory_space<hbm>> -> memref<1024xf32, #tpu.memory_space<hbm>>
      %dma_wait3A_11 = arith.constant 4096 : i32
      %dma_wait3A_12 = tpu.memref_slice %arg3[%dma_wait3A_11] : memref<6144xf32, #tpu.memory_space<hbm>> -> memref<1024xf32, #tpu.memory_space<hbm>>
      tpu.wait_dma2 semaphore(%run_scoped3A : memref<!tpu.dma_semaphore, #tpu.memory_space<semaphore_mem>>) src(%dma_wait3A_12 : memref<1024xf32, #tpu.memory_space<hbm>>) dst(%arg13 : memref<1024xf32, #tpu.memory_space<vmem>>)
      tpu.yield
    }) : () -> ()
    "tpu.region"() ({
      %run_scoped3A = tpu.sem_alloc : memref<!tpu.dma_semaphore, #tpu.memory_space<semaphore_mem>>
      %dma_start3A = arith.constant 5120 : i32
      %dma_start3A_7 = tpu.memref_slice %arg3[%dma_start3A] : memref<6144xf32, #tpu.memory_space<hbm>> -> memref<1024xf32, #tpu.memory_space<hbm>>
      %dma_start3A_8 = arith.constant 5120 : i32
      %dma_start3A_9 = tpu.memref_slice %arg3[%dma_start3A_8] : memref<6144xf32, #tpu.memory_space<hbm>> -> memref<1024xf32, #tpu.memory_space<hbm>>
      tpu.enqueue_dma source(%dma_start3A_9 : memref<1024xf32, #tpu.memory_space<hbm>>) target(%arg14 : memref<1024xf32, #tpu.memory_space<vmem>>) target_semaphore(%run_scoped3A : memref<!tpu.dma_semaphore, #tpu.memory_space<semaphore_mem>>)
      %dma_wait3A = arith.constant 5120 : i32
      %dma_wait3A_10 = tpu.memref_slice %arg3[%dma_wait3A] : memref<6144xf32, #tpu.memory_space<hbm>> -> memref<1024xf32, #tpu.memory_space<hbm>>
      %dma_wait3A_11 = arith.constant 5120 : i32
      %dma_wait3A_12 = tpu.memref_slice %arg3[%dma_wait3A_11] : memref<6144xf32, #tpu.memory_space<hbm>> -> memref<1024xf32, #tpu.memory_space<hbm>>
      tpu.wait_dma2 semaphore(%run_scoped3A : memref<!tpu.dma_semaphore, #tpu.memory_space<semaphore_mem>>) src(%dma_wait3A_12 : memref<1024xf32, #tpu.memory_space<hbm>>) dst(%arg14 : memref<1024xf32, #tpu.memory_space<vmem>>)
      tpu.yield
    }) : () -> ()
    %iota3A = tpu.iota {dimensions = array<i32: 0>} : vector<16xi32>
    %shift_left3A = arith.constant 4 : i32
    %shift_left3A_3 = vector.broadcast %shift_left3A : i32 to vector<16xi32>
    %shift_left3A_4 = arith.shli %iota3A, %shift_left3A_3 : vector<16xi32>
    %parallel_loop3A = arith.constant 0 : i32
    %parallel_loop3A_5 = arith.constant 32768 : i32
    %parallel_loop3A_6 = arith.constant 16 : i32
    scf.for %parallel_loop3A_7 = %parallel_loop3A to %parallel_loop3A_5 step %parallel_loop3A_6  : i32 {
      %parallel_loop3A_8 = arith.index_cast %parallel_loop3A_7 : i32 to index
      %parallel_loop3A_9 = tpu.vector_load %arg6[%parallel_loop3A_8] {strides = array<i32>} : memref<32768xf32, #tpu.memory_space<vmem>>, vector<16xf32>,
      %parallel_loop3A_10 = arith.constant 63 : i32
      %parallel_loop3A_11 = arith.andi %parallel_loop3A_7, %parallel_loop3A_10 : i32
      %parallel_loop3A_12 = arith.constant 4 : i32
      %parallel_loop3A_13 = arith.shli %parallel_loop3A_11, %parallel_loop3A_12 : i32
      %parallel_loop3A_14 = vector.broadcast %parallel_loop3A_13 : i32 to vector<16xi32>
      %parallel_loop3A_15 = arith.addi %shift_left3A_4, %parallel_loop3A_14 : vector<16xi32>
      %parallel_loop3A_16 = arith.constant 1008 : i32
      %parallel_loop3A_17 = vector.broadcast %parallel_loop3A_16 : i32 to vector<16xi32>
      %parallel_loop3A_18 = arith.andi %parallel_loop3A_15, %parallel_loop3A_17 : vector<16xi32>
      %parallel_loop3A_19 = arith.constant -2.000000e+01 : f32
      %parallel_loop3A_20 = arith.constant 2.000000e+01 : f32
      %parallel_loop3A_21 = vector.broadcast %parallel_loop3A_19 : f32 to vector<16xf32>
      %parallel_loop3A_22 = arith.maximumf %parallel_loop3A_21, %parallel_loop3A_9 : vector<16xf32>
      %parallel_loop3A_23 = vector.broadcast %parallel_loop3A_20 : f32 to vector<16xf32>
      %parallel_loop3A_24 = arith.minimumf %parallel_loop3A_23, %parallel_loop3A_22 : vector<16xf32>
      %parallel_loop3A_25 = arith.cmpf oeq, %parallel_loop3A_24, %parallel_loop3A_9 : vector<16xf32>
      %parallel_loop3A_26 = arith.constant 0 : i32
      %parallel_loop3A_27 = vector.broadcast %parallel_loop3A_26 : i32 to vector<16xi32>
      %parallel_loop3A_28 = arith.constant -2.000000e+01 : f32
      %parallel_loop3A_29 = vector.broadcast %parallel_loop3A_28 : f32 to vector<16xf32>
      %parallel_loop3A_30 = arith.constant 8 : i32
      %parallel_loop3A_31 = vector.broadcast %parallel_loop3A_30 : i32 to vector<16xi32>
      %parallel_loop3A_32 = arith.addi %parallel_loop3A_27, %parallel_loop3A_31 : vector<16xi32>
      %parallel_loop3A_33 = arith.addi %parallel_loop3A_18, %parallel_loop3A_32 : vector<16xi32>
      %parallel_loop3A_34 = tpu.vector_load_idx %arg9[%parallel_loop3A_33] : memref<1024xf32, #tpu.memory_space<vmem>>[vector<16xi32>], vector<16xf32>,
      %parallel_loop3A_35 = arith.cmpf oge, %parallel_loop3A_24, %parallel_loop3A_34 : vector<16xf32>
      %parallel_loop3A_36 = arith.select %parallel_loop3A_35, %parallel_loop3A_32, %parallel_loop3A_27 : vector<16xi1>, vector<16xi32>
      %parallel_loop3A_37 = arith.select %parallel_loop3A_35, %parallel_loop3A_34, %parallel_loop3A_29 : vector<16xi1>, vector<16xf32>
      %parallel_loop3A_38 = arith.constant 4 : i32
      %parallel_loop3A_39 = vector.broadcast %parallel_loop3A_38 : i32 to vector<16xi32>
      %parallel_loop3A_40 = arith.addi %parallel_loop3A_36, %parallel_loop3A_39 : vector<16xi32>
      %parallel_loop3A_41 = arith.addi %parallel_loop3A_18, %parallel_loop3A_40 : vector<16xi32>
      %parallel_loop3A_42 = tpu.vector_load_idx %arg9[%parallel_loop3A_41] : memref<1024xf32, #tpu.memory_space<vmem>>[vector<16xi32>], vector<16xf32>,
      %parallel_loop3A_43 = arith.cmpf oge, %parallel_loop3A_24, %parallel_loop3A_42 : vector<16xf32>
      %parallel_loop3A_44 = arith.select %parallel_loop3A_43, %parallel_loop3A_40, %parallel_loop3A_36 : vector<16xi1>, vector<16xi32>
      %parallel_loop3A_45 = arith.select %parallel_loop3A_43, %parallel_loop3A_42, %parallel_loop3A_37 : vector<16xi1>, vector<16xf32>
      %parallel_loop3A_46 = arith.constant 2 : i32
      %parallel_loop3A_47 = vector.broadcast %parallel_loop3A_46 : i32 to vector<16xi32>
      %parallel_loop3A_48 = arith.addi %parallel_loop3A_44, %parallel_loop3A_47 : vector<16xi32>
      %parallel_loop3A_49 = arith.addi %parallel_loop3A_18, %parallel_loop3A_48 : vector<16xi32>
      %parallel_loop3A_50 = tpu.vector_load_idx %arg9[%parallel_loop3A_49] : memref<1024xf32, #tpu.memory_space<vmem>>[vector<16xi32>], vector<16xf32>,
      %parallel_loop3A_51 = arith.cmpf oge, %parallel_loop3A_24, %parallel_loop3A_50 : vector<16xf32>
      %parallel_loop3A_52 = arith.select %parallel_loop3A_51, %parallel_loop3A_48, %parallel_loop3A_44 : vector<16xi1>, vector<16xi32>
      %parallel_loop3A_53 = arith.select %parallel_loop3A_51, %parallel_loop3A_50, %parallel_loop3A_45 : vector<16xi1>, vector<16xf32>
      %parallel_loop3A_54 = arith.constant 1 : i32
      %parallel_loop3A_55 = vector.broadcast %parallel_loop3A_54 : i32 to vector<16xi32>
      %parallel_loop3A_56 = arith.addi %parallel_loop3A_52, %parallel_loop3A_55 : vector<16xi32>
      %parallel_loop3A_57 = arith.addi %parallel_loop3A_18, %parallel_loop3A_56 : vector<16xi32>
      %parallel_loop3A_58 = tpu.vector_load_idx %arg9[%parallel_loop3A_57] : memref<1024xf32, #tpu.memory_space<vmem>>[vector<16xi32>], vector<16xf32>,
      %parallel_loop3A_59 = arith.cmpf oge, %parallel_loop3A_24, %parallel_loop3A_58 : vector<16xf32>
      %parallel_loop3A_60 = arith.select %parallel_loop3A_59, %parallel_loop3A_56, %parallel_loop3A_52 : vector<16xi1>, vector<16xi32>
      %parallel_loop3A_61 = arith.select %parallel_loop3A_59, %parallel_loop3A_58, %parallel_loop3A_53 : vector<16xi1>, vector<16xf32>
      %parallel_loop3A_62 = arith.addi %parallel_loop3A_18, %parallel_loop3A_60 : vector<16xi32>
      %parallel_loop3A_63 = tpu.vector_load_idx %arg10[%parallel_loop3A_62] : memref<1024xf32, #tpu.memory_space<vmem>>[vector<16xi32>], vector<16xf32>,
      %parallel_loop3A_64 = tpu.vector_load_idx %arg11[%parallel_loop3A_62] : memref<1024xf32, #tpu.memory_space<vmem>>[vector<16xi32>], vector<16xf32>,
      %parallel_loop3A_65 = tpu.vector_load_idx %arg12[%parallel_loop3A_62] : memref<1024xf32, #tpu.memory_space<vmem>>[vector<16xi32>], vector<16xf32>,
      %parallel_loop3A_66 = tpu.vector_load_idx %arg13[%parallel_loop3A_62] : memref<1024xf32, #tpu.memory_space<vmem>>[vector<16xi32>], vector<16xf32>,
      %parallel_loop3A_67 = tpu.vector_load_idx %arg14[%parallel_loop3A_62] : memref<1024xf32, #tpu.memory_space<vmem>>[vector<16xi32>], vector<16xf32>,
      %parallel_loop3A_68 = arith.mulf %parallel_loop3A_65, %parallel_loop3A_63 : vector<16xf32>
      %parallel_loop3A_69 = arith.subf %parallel_loop3A_24, %parallel_loop3A_61 : vector<16xf32>
      %parallel_loop3A_70 = arith.mulf %parallel_loop3A_69, %parallel_loop3A_63 : vector<16xf32>
      %parallel_loop3A_71 = arith.constant 1.000000e+00 : f32
      %parallel_loop3A_72 = vector.broadcast %parallel_loop3A_71 : f32 to vector<16xf32>
      %parallel_loop3A_73 = arith.subf %parallel_loop3A_72, %parallel_loop3A_70 : vector<16xf32>
      %parallel_loop3A_74 = arith.mulf %parallel_loop3A_70, %parallel_loop3A_73 : vector<16xf32>
      %parallel_loop3A_75 = arith.mulf %parallel_loop3A_70, %parallel_loop3A_70 : vector<16xf32>
      %parallel_loop3A_76 = arith.addf %parallel_loop3A_66, %parallel_loop3A_67 : vector<16xf32>
      %parallel_loop3A_77 = arith.constant 2.000000e+00 : f32
      %parallel_loop3A_78 = vector.broadcast %parallel_loop3A_77 : f32 to vector<16xf32>
      %parallel_loop3A_79 = arith.mulf %parallel_loop3A_78, %parallel_loop3A_68 : vector<16xf32>
      %parallel_loop3A_80 = arith.subf %parallel_loop3A_76, %parallel_loop3A_79 : vector<16xf32>
      %parallel_loop3A_81 = arith.mulf %parallel_loop3A_80, %parallel_loop3A_74 : vector<16xf32>
      %parallel_loop3A_82 = arith.addf %parallel_loop3A_68, %parallel_loop3A_81 : vector<16xf32>
      %parallel_loop3A_83 = arith.constant 1.000000e+00 : f32
      %parallel_loop3A_84 = vector.broadcast %parallel_loop3A_83 : f32 to vector<16xf32>
      %parallel_loop3A_85 = arith.divf %parallel_loop3A_84, %parallel_loop3A_82 : vector<16xf32>
      %parallel_loop3A_86 = arith.mulf %parallel_loop3A_68, %parallel_loop3A_75 : vector<16xf32>
      %parallel_loop3A_87 = arith.mulf %parallel_loop3A_66, %parallel_loop3A_74 : vector<16xf32>
      %parallel_loop3A_88 = arith.addf %parallel_loop3A_86, %parallel_loop3A_87 : vector<16xf32>
      %parallel_loop3A_89 = arith.mulf %parallel_loop3A_65, %parallel_loop3A_88 : vector<16xf32>
      %parallel_loop3A_90 = arith.mulf %parallel_loop3A_89, %parallel_loop3A_85 : vector<16xf32>
      %parallel_loop3A_91 = arith.addf %parallel_loop3A_64, %parallel_loop3A_90 : vector<16xf32>
      %parallel_loop3A_92 = arith.mulf %parallel_loop3A_68, %parallel_loop3A_68 : vector<16xf32>
      %parallel_loop3A_93 = arith.mulf %parallel_loop3A_67, %parallel_loop3A_75 : vector<16xf32>
      %parallel_loop3A_94 = arith.constant 2.000000e+00 : f32
      %parallel_loop3A_95 = vector.broadcast %parallel_loop3A_94 : f32 to vector<16xf32>
      %parallel_loop3A_96 = arith.mulf %parallel_loop3A_95, %parallel_loop3A_68 : vector<16xf32>
      %parallel_loop3A_97 = arith.mulf %parallel_loop3A_96, %parallel_loop3A_74 : vector<16xf32>
      %parallel_loop3A_98 = arith.addf %parallel_loop3A_93, %parallel_loop3A_97 : vector<16xf32>
      %parallel_loop3A_99 = arith.mulf %parallel_loop3A_66, %parallel_loop3A_73 : vector<16xf32>
      %parallel_loop3A_100 = arith.mulf %parallel_loop3A_99, %parallel_loop3A_73 : vector<16xf32>
      %parallel_loop3A_101 = arith.addf %parallel_loop3A_98, %parallel_loop3A_100 : vector<16xf32>
      %parallel_loop3A_102 = arith.mulf %parallel_loop3A_92, %parallel_loop3A_101 : vector<16xf32>
      %parallel_loop3A_103 = arith.mulf %parallel_loop3A_102, %parallel_loop3A_85 : vector<16xf32>
      %parallel_loop3A_104 = arith.mulf %parallel_loop3A_103, %parallel_loop3A_85 : vector<16xf32>
      %parallel_loop3A_105 = tpu.bitcast %parallel_loop3A_104 : vector<16xf32> -> vector<16xi32>
      %parallel_loop3A_106 = arith.constant 23 : i32
      %parallel_loop3A_107 = vector.broadcast %parallel_loop3A_106 : i32 to vector<16xi32>
      %parallel_loop3A_108 = arith.shrsi %parallel_loop3A_105, %parallel_loop3A_107 : vector<16xi32>
      %parallel_loop3A_109 = arith.constant 127 : i32
      %parallel_loop3A_110 = vector.broadcast %parallel_loop3A_109 : i32 to vector<16xi32>
      %parallel_loop3A_111 = arith.subi %parallel_loop3A_108, %parallel_loop3A_110 : vector<16xi32>
      %parallel_loop3A_112 = arith.constant 8388607 : i32
      %parallel_loop3A_113 = vector.broadcast %parallel_loop3A_112 : i32 to vector<16xi32>
      %parallel_loop3A_114 = arith.andi %parallel_loop3A_105, %parallel_loop3A_113 : vector<16xi32>
      %parallel_loop3A_115 = arith.constant 1065353216 : i32
      %parallel_loop3A_116 = vector.broadcast %parallel_loop3A_115 : i32 to vector<16xi32>
      %parallel_loop3A_117 = arith.ori %parallel_loop3A_114, %parallel_loop3A_116 : vector<16xi32>
      %parallel_loop3A_118 = tpu.bitcast %parallel_loop3A_117 : vector<16xi32> -> vector<16xf32>
      %parallel_loop3A_119 = arith.constant 1.000000e+00 : f32
      %parallel_loop3A_120 = vector.broadcast %parallel_loop3A_119 : f32 to vector<16xf32>
      %parallel_loop3A_121 = arith.subf %parallel_loop3A_118, %parallel_loop3A_120 : vector<16xf32>
      %parallel_loop3A_122 = arith.constant 1.000000e+00 : f32
      %parallel_loop3A_123 = vector.broadcast %parallel_loop3A_122 : f32 to vector<16xf32>
      %parallel_loop3A_124 = arith.addf %parallel_loop3A_118, %parallel_loop3A_123 : vector<16xf32>
      %parallel_loop3A_125 = arith.divf %parallel_loop3A_121, %parallel_loop3A_124 : vector<16xf32>
      %parallel_loop3A_126 = arith.mulf %parallel_loop3A_125, %parallel_loop3A_125 : vector<16xf32>
      %parallel_loop3A_127 = arith.constant 4.000000e-01 : f32
      %parallel_loop3A_128 = vector.broadcast %parallel_loop3A_127 : f32 to vector<16xf32>
      %parallel_loop3A_129 = arith.mulf %parallel_loop3A_126, %parallel_loop3A_128 : vector<16xf32>
      %parallel_loop3A_130 = arith.constant 0.666666686 : f32
      %parallel_loop3A_131 = vector.broadcast %parallel_loop3A_130 : f32 to vector<16xf32>
      %parallel_loop3A_132 = arith.addf %parallel_loop3A_131, %parallel_loop3A_129 : vector<16xf32>
      %parallel_loop3A_133 = arith.mulf %parallel_loop3A_126, %parallel_loop3A_132 : vector<16xf32>
      %parallel_loop3A_134 = arith.constant 2.000000e+00 : f32
      %parallel_loop3A_135 = vector.broadcast %parallel_loop3A_134 : f32 to vector<16xf32>
      %parallel_loop3A_136 = arith.addf %parallel_loop3A_135, %parallel_loop3A_133 : vector<16xf32>
      %parallel_loop3A_137 = arith.mulf %parallel_loop3A_125, %parallel_loop3A_136 : vector<16xf32>
      %parallel_loop3A_138 = arith.sitofp %parallel_loop3A_111 : vector<16xi32> to vector<16xf32>
      %parallel_loop3A_139 = arith.constant 0.693147182 : f32
      %parallel_loop3A_140 = vector.broadcast %parallel_loop3A_139 : f32 to vector<16xf32>
      %parallel_loop3A_141 = arith.mulf %parallel_loop3A_138, %parallel_loop3A_140 : vector<16xf32>
      %parallel_loop3A_142 = arith.addf %parallel_loop3A_137, %parallel_loop3A_141 : vector<16xf32>
      %parallel_loop3A_143 = arith.select %parallel_loop3A_25, %parallel_loop3A_91, %parallel_loop3A_9 : vector<16xi1>, vector<16xf32>
      %parallel_loop3A_144 = arith.index_cast %parallel_loop3A_7 : i32 to index
      %parallel_loop3A_145 = tpu.vector_load %arg7[%parallel_loop3A_144] {strides = array<i32>} : memref<32768xf32, #tpu.memory_space<vmem>>, vector<16xf32>,
      tpu.vector_store %arg7[%parallel_loop3A_144], %parallel_loop3A_143 {strides = array<i32>} : memref<32768xf32, #tpu.memory_space<vmem>>, vector<16xf32>,
      %parallel_loop3A_146 = arith.constant 0.000000e+00 : f32
      %parallel_loop3A_147 = vector.broadcast %parallel_loop3A_146 : f32 to vector<16xf32>
      %parallel_loop3A_148 = arith.select %parallel_loop3A_25, %parallel_loop3A_142, %parallel_loop3A_147 : vector<16xi1>, vector<16xf32>
      %parallel_loop3A_149 = arith.index_cast %parallel_loop3A_7 : i32 to index
      %parallel_loop3A_150 = tpu.vector_load %arg8[%parallel_loop3A_149] {strides = array<i32>} : memref<32768xf32, #tpu.memory_space<vmem>>, vector<16xf32>,
      tpu.vector_store %arg8[%parallel_loop3A_149], %parallel_loop3A_148 {strides = array<i32>} : memref<32768xf32, #tpu.memory_space<vmem>>, vector<16xf32>,
    } {sc.loop_unroll_factor = 5 : i64, sc.parallel_access}
    "tpu.region"() ({
      %run_scoped3A = tpu.sem_alloc : memref<!tpu.dma_semaphore, #tpu.memory_space<semaphore_mem>>
      %dma_start3A = tpu.memref_slice %arg4[%mul3A_2] : memref<1048576xf32, #tpu.memory_space<hbm>> -> memref<32768xf32, #tpu.memory_space<hbm>>
      %dma_start3A_7 = tpu.memref_slice %arg4[%mul3A_2] : memref<1048576xf32, #tpu.memory_space<hbm>> -> memref<32768xf32, #tpu.memory_space<hbm>>
      tpu.enqueue_dma source(%arg7 : memref<32768xf32, #tpu.memory_space<vmem>>) target(%dma_start3A_7 : memref<32768xf32, #tpu.memory_space<hbm>>) target_semaphore(%run_scoped3A : memref<!tpu.dma_semaphore, #tpu.memory_space<semaphore_mem>>)
      %dma_wait3A = tpu.memref_slice %arg4[%mul3A_2] : memref<1048576xf32, #tpu.memory_space<hbm>> -> memref<32768xf32, #tpu.memory_space<hbm>>
      %dma_wait3A_8 = tpu.memref_slice %arg4[%mul3A_2] : memref<1048576xf32, #tpu.memory_space<hbm>> -> memref<32768xf32, #tpu.memory_space<hbm>>
      tpu.wait_dma2 semaphore(%run_scoped3A : memref<!tpu.dma_semaphore, #tpu.memory_space<semaphore_mem>>) src(%arg7 : memref<32768xf32, #tpu.memory_space<vmem>>) dst(%dma_wait3A_8 : memref<32768xf32, #tpu.memory_space<hbm>>)
      tpu.yield
    }) : () -> ()
    "tpu.region"() ({
      %run_scoped3A = tpu.sem_alloc : memref<!tpu.dma_semaphore, #tpu.memory_space<semaphore_mem>>
      %dma_start3A = tpu.memref_slice %arg5[%mul3A_2] : memref<1048576xf32, #tpu.memory_space<hbm>> -> memref<32768xf32, #tpu.memory_space<hbm>>
      %dma_start3A_7 = tpu.memref_slice %arg5[%mul3A_2] : memref<1048576xf32, #tpu.memory_space<hbm>> -> memref<32768xf32, #tpu.memory_space<hbm>>
      tpu.enqueue_dma source(%arg8 : memref<32768xf32, #tpu.memory_space<vmem>>) target(%dma_start3A_7 : memref<32768xf32, #tpu.memory_space<hbm>>) target_semaphore(%run_scoped3A : memref<!tpu.dma_semaphore, #tpu.memory_space<semaphore_mem>>)
      %dma_wait3A = tpu.memref_slice %arg5[%mul3A_2] : memref<1048576xf32, #tpu.memory_space<hbm>> -> memref<32768xf32, #tpu.memory_space<hbm>>
      %dma_wait3A_8 = tpu.memref_slice %arg5[%mul3A_2] : memref<1048576xf32, #tpu.memory_space<hbm>> -> memref<32768xf32, #tpu.memory_space<hbm>>
      tpu.wait_dma2 semaphore(%run_scoped3A : memref<!tpu.dma_semaphore, #tpu.memory_space<semaphore_mem>>) src(%arg8 : memref<32768xf32, #tpu.memory_space<vmem>>) dst(%dma_wait3A_8 : memref<32768xf32, #tpu.memory_space<hbm>>)
      tpu.yield
    }) : () -> ()
    return
  }
}

module attributes {stable_mosaic.version = 14 : i64} {
  func.func @_prep_body(%arg0: memref<64x16xf32, #tpu.memory_space<vmem>>, %arg1: memref<64x16xf32, #tpu.memory_space<vmem>>, %arg2: memref<64x15xf32, #tpu.memory_space<vmem>>, %arg3: memref<6x64x16xf32, #tpu.memory_space<vmem>>) attributes {dimension_semantics = [], scalar_prefetch = 0 : i64, scratch_operands = 0 : i64, tpu.core_type = #tpu.core_type<tc>} {
    %get3A = arith.constant 0 : index
    %get3A_0 = arith.constant 0 : index
    %get3A_1 = vector.load %arg0[%get3A, %get3A_0] : memref<64x16xf32, #tpu.memory_space<vmem>>, vector<64x16xf32>
    %get3A_2 = arith.constant 0 : index
    %get3A_3 = arith.constant 0 : index
    %get3A_4 = vector.load %arg1[%get3A_2, %get3A_3] : memref<64x16xf32, #tpu.memory_space<vmem>>, vector<64x16xf32>
    %get3A_5 = arith.constant 0 : index
    %get3A_6 = arith.constant 0 : index
    %get3A_7 = vector.load %arg2[%get3A_5, %get3A_6] : memref<64x15xf32, #tpu.memory_space<vmem>>, vector<64x15xf32>
    %reduce_max3A = arith.constant dense<0xFF800000> : vector<64xf32>
    %reduce_max3A_8 = vector.multi_reduction <maximumf>, %get3A_1, %reduce_max3A [1] : vector<64x16xf32> to vector<64xf32>
    %broadcast_in_dim3A = vector.shape_cast %reduce_max3A_8 : vector<64xf32> to vector<64x1xf32>
    %sub3A = vector.broadcast %broadcast_in_dim3A : vector<64x1xf32> to vector<64x16xf32>
    %sub3A_9 = arith.subf %get3A_1, %sub3A : vector<64x16xf32>
    %exp3A = math.exp %sub3A_9 : vector<64x16xf32>
    %reduce_sum3A = arith.constant dense<0.000000e+00> : vector<64xf32>
    %reduce_sum3A_10 = vector.multi_reduction <add>, %exp3A, %reduce_sum3A [1] : vector<64x16xf32> to vector<64xf32>
    %broadcast_in_dim3A_11 = vector.shape_cast %reduce_sum3A_10 : vector<64xf32> to vector<64x1xf32>
    %div3A = vector.broadcast %broadcast_in_dim3A_11 : vector<64x1xf32> to vector<64x16xf32>
    %div3A_12 = arith.divf %exp3A, %div3A : vector<64x16xf32>
    %mul3A = arith.constant 4.000000e+01 : f32
    %mul3A_13 = vector.broadcast %mul3A : f32 to vector<64x16xf32>
    %mul3A_14 = arith.mulf %mul3A_13, %div3A_12 : vector<64x16xf32>
    %reduce_max3A_15 = arith.constant dense<0xFF800000> : vector<64xf32>
    %reduce_max3A_16 = vector.multi_reduction <maximumf>, %get3A_4, %reduce_max3A_15 [1] : vector<64x16xf32> to vector<64xf32>
    %broadcast_in_dim3A_17 = vector.shape_cast %reduce_max3A_16 : vector<64xf32> to vector<64x1xf32>
    %sub3A_18 = vector.broadcast %broadcast_in_dim3A_17 : vector<64x1xf32> to vector<64x16xf32>
    %sub3A_19 = arith.subf %get3A_4, %sub3A_18 : vector<64x16xf32>
    %exp3A_20 = math.exp %sub3A_19 : vector<64x16xf32>
    %reduce_sum3A_21 = arith.constant dense<0.000000e+00> : vector<64xf32>
    %reduce_sum3A_22 = vector.multi_reduction <add>, %exp3A_20, %reduce_sum3A_21 [1] : vector<64x16xf32> to vector<64xf32>
    %broadcast_in_dim3A_23 = vector.shape_cast %reduce_sum3A_22 : vector<64xf32> to vector<64x1xf32>
    %div3A_24 = vector.broadcast %broadcast_in_dim3A_23 : vector<64x1xf32> to vector<64x16xf32>
    %div3A_25 = arith.divf %exp3A_20, %div3A_24 : vector<64x16xf32>
    %mul3A_26 = arith.constant 4.000000e+01 : f32
    %mul3A_27 = vector.broadcast %mul3A_26 : f32 to vector<64x16xf32>
    %mul3A_28 = arith.mulf %mul3A_27, %div3A_25 : vector<64x16xf32>
    %max3A = arith.constant 0.000000e+00 : f32
    %max3A_29 = vector.broadcast %max3A : f32 to vector<64x15xf32>
    %max3A_30 = arith.maximumf %get3A_7, %max3A_29 : vector<64x15xf32>
    %abs3A = math.absf %get3A_7 : vector<64x15xf32>
    %neg3A = arith.constant 0.000000e+00 : f32
    %neg3A_31 = vector.broadcast %neg3A : f32 to vector<64x15xf32>
    %neg3A_32 = arith.subf %neg3A_31, %abs3A : vector<64x15xf32>
    %exp3A_33 = math.exp %neg3A_32 : vector<64x15xf32>
    %add3A = arith.constant 1.000000e+00 : f32
    %add3A_34 = vector.broadcast %add3A : f32 to vector<64x15xf32>
    %add3A_35 = arith.addf %add3A_34, %exp3A_33 : vector<64x15xf32>
    %log3A = math.log %add3A_35 : vector<64x15xf32>
    %add3A_36 = arith.addf %max3A_30, %log3A : vector<64x15xf32>
    %broadcast_in_dim3A_37 = arith.constant -2.000000e+01 : f32
    %broadcast_in_dim3A_38 = vector.broadcast %broadcast_in_dim3A_37 : f32 to vector<64x1xf32>
    %broadcast_in_dim3A_39 = arith.constant 0.000000e+00 : f32
    %broadcast_in_dim3A_40 = vector.broadcast %broadcast_in_dim3A_39 : f32 to vector<64x1xf32>
    %slice3A = vector.extract_strided_slice %mul3A_14 {offsets = [0, 0], sizes = [64, 1], strides = [1, 1]} : vector<64x16xf32> to vector<64x1xf32>
    %add3A_41 = arith.addf %broadcast_in_dim3A_40, %slice3A : vector<64x1xf32>
    %sub3A_42 = arith.constant 2.000000e+01 : f32
    %sub3A_43 = vector.broadcast %sub3A_42 : f32 to vector<64x1xf32>
    %sub3A_44 = arith.subf %add3A_41, %sub3A_43 : vector<64x1xf32>
    %slice3A_45 = vector.extract_strided_slice %mul3A_14 {offsets = [0, 1], sizes = [64, 1], strides = [1, 1]} : vector<64x16xf32> to vector<64x1xf32>
    %add3A_46 = arith.addf %add3A_41, %slice3A_45 : vector<64x1xf32>
    %sub3A_47 = arith.constant 2.000000e+01 : f32
    %sub3A_48 = vector.broadcast %sub3A_47 : f32 to vector<64x1xf32>
    %sub3A_49 = arith.subf %add3A_46, %sub3A_48 : vector<64x1xf32>
    %slice3A_50 = vector.extract_strided_slice %mul3A_14 {offsets = [0, 2], sizes = [64, 1], strides = [1, 1]} : vector<64x16xf32> to vector<64x1xf32>
    %add3A_51 = arith.addf %add3A_46, %slice3A_50 : vector<64x1xf32>
    %sub3A_52 = arith.constant 2.000000e+01 : f32
    %sub3A_53 = vector.broadcast %sub3A_52 : f32 to vector<64x1xf32>
    %sub3A_54 = arith.subf %add3A_51, %sub3A_53 : vector<64x1xf32>
    %slice3A_55 = vector.extract_strided_slice %mul3A_14 {offsets = [0, 3], sizes = [64, 1], strides = [1, 1]} : vector<64x16xf32> to vector<64x1xf32>
    %add3A_56 = arith.addf %add3A_51, %slice3A_55 : vector<64x1xf32>
    %sub3A_57 = arith.constant 2.000000e+01 : f32
    %sub3A_58 = vector.broadcast %sub3A_57 : f32 to vector<64x1xf32>
    %sub3A_59 = arith.subf %add3A_56, %sub3A_58 : vector<64x1xf32>
    %slice3A_60 = vector.extract_strided_slice %mul3A_14 {offsets = [0, 4], sizes = [64, 1], strides = [1, 1]} : vector<64x16xf32> to vector<64x1xf32>
    %add3A_61 = arith.addf %add3A_56, %slice3A_60 : vector<64x1xf32>
    %sub3A_62 = arith.constant 2.000000e+01 : f32
    %sub3A_63 = vector.broadcast %sub3A_62 : f32 to vector<64x1xf32>
    %sub3A_64 = arith.subf %add3A_61, %sub3A_63 : vector<64x1xf32>
    %slice3A_65 = vector.extract_strided_slice %mul3A_14 {offsets = [0, 5], sizes = [64, 1], strides = [1, 1]} : vector<64x16xf32> to vector<64x1xf32>
    %add3A_66 = arith.addf %add3A_61, %slice3A_65 : vector<64x1xf32>
    %sub3A_67 = arith.constant 2.000000e+01 : f32
    %sub3A_68 = vector.broadcast %sub3A_67 : f32 to vector<64x1xf32>
    %sub3A_69 = arith.subf %add3A_66, %sub3A_68 : vector<64x1xf32>
    %slice3A_70 = vector.extract_strided_slice %mul3A_14 {offsets = [0, 6], sizes = [64, 1], strides = [1, 1]} : vector<64x16xf32> to vector<64x1xf32>
    %add3A_71 = arith.addf %add3A_66, %slice3A_70 : vector<64x1xf32>
    %sub3A_72 = arith.constant 2.000000e+01 : f32
    %sub3A_73 = vector.broadcast %sub3A_72 : f32 to vector<64x1xf32>
    %sub3A_74 = arith.subf %add3A_71, %sub3A_73 : vector<64x1xf32>
    %slice3A_75 = vector.extract_strided_slice %mul3A_14 {offsets = [0, 7], sizes = [64, 1], strides = [1, 1]} : vector<64x16xf32> to vector<64x1xf32>
    %add3A_76 = arith.addf %add3A_71, %slice3A_75 : vector<64x1xf32>
    %sub3A_77 = arith.constant 2.000000e+01 : f32
    %sub3A_78 = vector.broadcast %sub3A_77 : f32 to vector<64x1xf32>
    %sub3A_79 = arith.subf %add3A_76, %sub3A_78 : vector<64x1xf32>
    %slice3A_80 = vector.extract_strided_slice %mul3A_14 {offsets = [0, 8], sizes = [64, 1], strides = [1, 1]} : vector<64x16xf32> to vector<64x1xf32>
    %add3A_81 = arith.addf %add3A_76, %slice3A_80 : vector<64x1xf32>
    %sub3A_82 = arith.constant 2.000000e+01 : f32
    %sub3A_83 = vector.broadcast %sub3A_82 : f32 to vector<64x1xf32>
    %sub3A_84 = arith.subf %add3A_81, %sub3A_83 : vector<64x1xf32>
    %slice3A_85 = vector.extract_strided_slice %mul3A_14 {offsets = [0, 9], sizes = [64, 1], strides = [1, 1]} : vector<64x16xf32> to vector<64x1xf32>
    %add3A_86 = arith.addf %add3A_81, %slice3A_85 : vector<64x1xf32>
    %sub3A_87 = arith.constant 2.000000e+01 : f32
    %sub3A_88 = vector.broadcast %sub3A_87 : f32 to vector<64x1xf32>
    %sub3A_89 = arith.subf %add3A_86, %sub3A_88 : vector<64x1xf32>
    %slice3A_90 = vector.extract_strided_slice %mul3A_14 {offsets = [0, 10], sizes = [64, 1], strides = [1, 1]} : vector<64x16xf32> to vector<64x1xf32>
    %add3A_91 = arith.addf %add3A_86, %slice3A_90 : vector<64x1xf32>
    %sub3A_92 = arith.constant 2.000000e+01 : f32
    %sub3A_93 = vector.broadcast %sub3A_92 : f32 to vector<64x1xf32>
    %sub3A_94 = arith.subf %add3A_91, %sub3A_93 : vector<64x1xf32>
    %slice3A_95 = vector.extract_strided_slice %mul3A_14 {offsets = [0, 11], sizes = [64, 1], strides = [1, 1]} : vector<64x16xf32> to vector<64x1xf32>
    %add3A_96 = arith.addf %add3A_91, %slice3A_95 : vector<64x1xf32>
    %sub3A_97 = arith.constant 2.000000e+01 : f32
    %sub3A_98 = vector.broadcast %sub3A_97 : f32 to vector<64x1xf32>
    %sub3A_99 = arith.subf %add3A_96, %sub3A_98 : vector<64x1xf32>
    %slice3A_100 = vector.extract_strided_slice %mul3A_14 {offsets = [0, 12], sizes = [64, 1], strides = [1, 1]} : vector<64x16xf32> to vector<64x1xf32>
    %add3A_101 = arith.addf %add3A_96, %slice3A_100 : vector<64x1xf32>
    %sub3A_102 = arith.constant 2.000000e+01 : f32
    %sub3A_103 = vector.broadcast %sub3A_102 : f32 to vector<64x1xf32>
    %sub3A_104 = arith.subf %add3A_101, %sub3A_103 : vector<64x1xf32>
    %slice3A_105 = vector.extract_strided_slice %mul3A_14 {offsets = [0, 13], sizes = [64, 1], strides = [1, 1]} : vector<64x16xf32> to vector<64x1xf32>
    %add3A_106 = arith.addf %add3A_101, %slice3A_105 : vector<64x1xf32>
    %sub3A_107 = arith.constant 2.000000e+01 : f32
    %sub3A_108 = vector.broadcast %sub3A_107 : f32 to vector<64x1xf32>
    %sub3A_109 = arith.subf %add3A_106, %sub3A_108 : vector<64x1xf32>
    %slice3A_110 = vector.extract_strided_slice %mul3A_14 {offsets = [0, 14], sizes = [64, 1], strides = [1, 1]} : vector<64x16xf32> to vector<64x1xf32>
    %add3A_111 = arith.addf %add3A_106, %slice3A_110 : vector<64x1xf32>
    %sub3A_112 = arith.constant 2.000000e+01 : f32
    %sub3A_113 = vector.broadcast %sub3A_112 : f32 to vector<64x1xf32>
    %sub3A_114 = arith.subf %add3A_111, %sub3A_113 : vector<64x1xf32>
    %broadcast_in_dim3A_115 = arith.constant 2.000000e+01 : f32
    %broadcast_in_dim3A_116 = vector.broadcast %broadcast_in_dim3A_115 : f32 to vector<64x1xf32>
    %concatenate3A = tpu.concatenate %broadcast_in_dim3A_38, %sub3A_44, %sub3A_49, %sub3A_54, %sub3A_59, %sub3A_64, %sub3A_69, %sub3A_74, %sub3A_79, %sub3A_84, %sub3A_89, %sub3A_94, %sub3A_99, %sub3A_104, %sub3A_109, %sub3A_114, %broadcast_in_dim3A_116 in 1 : vector<64x1xf32>, vector<64x1xf32>, vector<64x1xf32>, vector<64x1xf32>, vector<64x1xf32>, vector<64x1xf32>, vector<64x1xf32>, vector<64x1xf32>, vector<64x1xf32>, vector<64x1xf32>, vector<64x1xf32>, vector<64x1xf32>, vector<64x1xf32>, vector<64x1xf32>, vector<64x1xf32>, vector<64x1xf32>, vector<64x1xf32> -> vector<64x17xf32>
    %broadcast_in_dim3A_117 = arith.constant -2.000000e+01 : f32
    %broadcast_in_dim3A_118 = vector.broadcast %broadcast_in_dim3A_117 : f32 to vector<64x1xf32>
    %broadcast_in_dim3A_119 = arith.constant 0.000000e+00 : f32
    %broadcast_in_dim3A_120 = vector.broadcast %broadcast_in_dim3A_119 : f32 to vector<64x1xf32>
    %slice3A_121 = vector.extract_strided_slice %mul3A_28 {offsets = [0, 0], sizes = [64, 1], strides = [1, 1]} : vector<64x16xf32> to vector<64x1xf32>
    %add3A_122 = arith.addf %broadcast_in_dim3A_120, %slice3A_121 : vector<64x1xf32>
    %sub3A_123 = arith.constant 2.000000e+01 : f32
    %sub3A_124 = vector.broadcast %sub3A_123 : f32 to vector<64x1xf32>
    %sub3A_125 = arith.subf %add3A_122, %sub3A_124 : vector<64x1xf32>
    %slice3A_126 = vector.extract_strided_slice %mul3A_28 {offsets = [0, 1], sizes = [64, 1], strides = [1, 1]} : vector<64x16xf32> to vector<64x1xf32>
    %add3A_127 = arith.addf %add3A_122, %slice3A_126 : vector<64x1xf32>
    %sub3A_128 = arith.constant 2.000000e+01 : f32
    %sub3A_129 = vector.broadcast %sub3A_128 : f32 to vector<64x1xf32>
    %sub3A_130 = arith.subf %add3A_127, %sub3A_129 : vector<64x1xf32>
    %slice3A_131 = vector.extract_strided_slice %mul3A_28 {offsets = [0, 2], sizes = [64, 1], strides = [1, 1]} : vector<64x16xf32> to vector<64x1xf32>
    %add3A_132 = arith.addf %add3A_127, %slice3A_131 : vector<64x1xf32>
    %sub3A_133 = arith.constant 2.000000e+01 : f32
    %sub3A_134 = vector.broadcast %sub3A_133 : f32 to vector<64x1xf32>
    %sub3A_135 = arith.subf %add3A_132, %sub3A_134 : vector<64x1xf32>
    %slice3A_136 = vector.extract_strided_slice %mul3A_28 {offsets = [0, 3], sizes = [64, 1], strides = [1, 1]} : vector<64x16xf32> to vector<64x1xf32>
    %add3A_137 = arith.addf %add3A_132, %slice3A_136 : vector<64x1xf32>
    %sub3A_138 = arith.constant 2.000000e+01 : f32
    %sub3A_139 = vector.broadcast %sub3A_138 : f32 to vector<64x1xf32>
    %sub3A_140 = arith.subf %add3A_137, %sub3A_139 : vector<64x1xf32>
    %slice3A_141 = vector.extract_strided_slice %mul3A_28 {offsets = [0, 4], sizes = [64, 1], strides = [1, 1]} : vector<64x16xf32> to vector<64x1xf32>
    %add3A_142 = arith.addf %add3A_137, %slice3A_141 : vector<64x1xf32>
    %sub3A_143 = arith.constant 2.000000e+01 : f32
    %sub3A_144 = vector.broadcast %sub3A_143 : f32 to vector<64x1xf32>
    %sub3A_145 = arith.subf %add3A_142, %sub3A_144 : vector<64x1xf32>
    %slice3A_146 = vector.extract_strided_slice %mul3A_28 {offsets = [0, 5], sizes = [64, 1], strides = [1, 1]} : vector<64x16xf32> to vector<64x1xf32>
    %add3A_147 = arith.addf %add3A_142, %slice3A_146 : vector<64x1xf32>
    %sub3A_148 = arith.constant 2.000000e+01 : f32
    %sub3A_149 = vector.broadcast %sub3A_148 : f32 to vector<64x1xf32>
    %sub3A_150 = arith.subf %add3A_147, %sub3A_149 : vector<64x1xf32>
    %slice3A_151 = vector.extract_strided_slice %mul3A_28 {offsets = [0, 6], sizes = [64, 1], strides = [1, 1]} : vector<64x16xf32> to vector<64x1xf32>
    %add3A_152 = arith.addf %add3A_147, %slice3A_151 : vector<64x1xf32>
    %sub3A_153 = arith.constant 2.000000e+01 : f32
    %sub3A_154 = vector.broadcast %sub3A_153 : f32 to vector<64x1xf32>
    %sub3A_155 = arith.subf %add3A_152, %sub3A_154 : vector<64x1xf32>
    %slice3A_156 = vector.extract_strided_slice %mul3A_28 {offsets = [0, 7], sizes = [64, 1], strides = [1, 1]} : vector<64x16xf32> to vector<64x1xf32>
    %add3A_157 = arith.addf %add3A_152, %slice3A_156 : vector<64x1xf32>
    %sub3A_158 = arith.constant 2.000000e+01 : f32
    %sub3A_159 = vector.broadcast %sub3A_158 : f32 to vector<64x1xf32>
    %sub3A_160 = arith.subf %add3A_157, %sub3A_159 : vector<64x1xf32>
    %slice3A_161 = vector.extract_strided_slice %mul3A_28 {offsets = [0, 8], sizes = [64, 1], strides = [1, 1]} : vector<64x16xf32> to vector<64x1xf32>
    %add3A_162 = arith.addf %add3A_157, %slice3A_161 : vector<64x1xf32>
    %sub3A_163 = arith.constant 2.000000e+01 : f32
    %sub3A_164 = vector.broadcast %sub3A_163 : f32 to vector<64x1xf32>
    %sub3A_165 = arith.subf %add3A_162, %sub3A_164 : vector<64x1xf32>
    %slice3A_166 = vector.extract_strided_slice %mul3A_28 {offsets = [0, 9], sizes = [64, 1], strides = [1, 1]} : vector<64x16xf32> to vector<64x1xf32>
    %add3A_167 = arith.addf %add3A_162, %slice3A_166 : vector<64x1xf32>
    %sub3A_168 = arith.constant 2.000000e+01 : f32
    %sub3A_169 = vector.broadcast %sub3A_168 : f32 to vector<64x1xf32>
    %sub3A_170 = arith.subf %add3A_167, %sub3A_169 : vector<64x1xf32>
    %slice3A_171 = vector.extract_strided_slice %mul3A_28 {offsets = [0, 10], sizes = [64, 1], strides = [1, 1]} : vector<64x16xf32> to vector<64x1xf32>
    %add3A_172 = arith.addf %add3A_167, %slice3A_171 : vector<64x1xf32>
    %sub3A_173 = arith.constant 2.000000e+01 : f32
    %sub3A_174 = vector.broadcast %sub3A_173 : f32 to vector<64x1xf32>
    %sub3A_175 = arith.subf %add3A_172, %sub3A_174 : vector<64x1xf32>
    %slice3A_176 = vector.extract_strided_slice %mul3A_28 {offsets = [0, 11], sizes = [64, 1], strides = [1, 1]} : vector<64x16xf32> to vector<64x1xf32>
    %add3A_177 = arith.addf %add3A_172, %slice3A_176 : vector<64x1xf32>
    %sub3A_178 = arith.constant 2.000000e+01 : f32
    %sub3A_179 = vector.broadcast %sub3A_178 : f32 to vector<64x1xf32>
    %sub3A_180 = arith.subf %add3A_177, %sub3A_179 : vector<64x1xf32>
    %slice3A_181 = vector.extract_strided_slice %mul3A_28 {offsets = [0, 12], sizes = [64, 1], strides = [1, 1]} : vector<64x16xf32> to vector<64x1xf32>
    %add3A_182 = arith.addf %add3A_177, %slice3A_181 : vector<64x1xf32>
    %sub3A_183 = arith.constant 2.000000e+01 : f32
    %sub3A_184 = vector.broadcast %sub3A_183 : f32 to vector<64x1xf32>
    %sub3A_185 = arith.subf %add3A_182, %sub3A_184 : vector<64x1xf32>
    %slice3A_186 = vector.extract_strided_slice %mul3A_28 {offsets = [0, 13], sizes = [64, 1], strides = [1, 1]} : vector<64x16xf32> to vector<64x1xf32>
    %add3A_187 = arith.addf %add3A_182, %slice3A_186 : vector<64x1xf32>
    %sub3A_188 = arith.constant 2.000000e+01 : f32
    %sub3A_189 = vector.broadcast %sub3A_188 : f32 to vector<64x1xf32>
    %sub3A_190 = arith.subf %add3A_187, %sub3A_189 : vector<64x1xf32>
    %slice3A_191 = vector.extract_strided_slice %mul3A_28 {offsets = [0, 14], sizes = [64, 1], strides = [1, 1]} : vector<64x16xf32> to vector<64x1xf32>
    %add3A_192 = arith.addf %add3A_187, %slice3A_191 : vector<64x1xf32>
    %sub3A_193 = arith.constant 2.000000e+01 : f32
    %sub3A_194 = vector.broadcast %sub3A_193 : f32 to vector<64x1xf32>
    %sub3A_195 = arith.subf %add3A_192, %sub3A_194 : vector<64x1xf32>
    %broadcast_in_dim3A_196 = arith.constant 2.000000e+01 : f32
    %broadcast_in_dim3A_197 = vector.broadcast %broadcast_in_dim3A_196 : f32 to vector<64x1xf32>
    %concatenate3A_198 = tpu.concatenate %broadcast_in_dim3A_118, %sub3A_125, %sub3A_130, %sub3A_135, %sub3A_140, %sub3A_145, %sub3A_150, %sub3A_155, %sub3A_160, %sub3A_165, %sub3A_170, %sub3A_175, %sub3A_180, %sub3A_185, %sub3A_190, %sub3A_195, %broadcast_in_dim3A_197 in 1 : vector<64x1xf32>, vector<64x1xf32>, vector<64x1xf32>, vector<64x1xf32>, vector<64x1xf32>, vector<64x1xf32>, vector<64x1xf32>, vector<64x1xf32>, vector<64x1xf32>, vector<64x1xf32>, vector<64x1xf32>, vector<64x1xf32>, vector<64x1xf32>, vector<64x1xf32>, vector<64x1xf32>, vector<64x1xf32>, vector<64x1xf32> -> vector<64x17xf32>
    %slice3A_199 = vector.extract_strided_slice %concatenate3A {offsets = [0, 1], sizes = [64, 16], strides = [1, 1]} : vector<64x17xf32> to vector<64x16xf32>
    %slice3A_200 = vector.extract_strided_slice %concatenate3A {offsets = [0, 0], sizes = [64, 16], strides = [1, 1]} : vector<64x17xf32> to vector<64x16xf32>
    %sub3A_201 = arith.subf %slice3A_199, %slice3A_200 : vector<64x16xf32>
    %slice3A_202 = vector.extract_strided_slice %concatenate3A_198 {offsets = [0, 1], sizes = [64, 16], strides = [1, 1]} : vector<64x17xf32> to vector<64x16xf32>
    %slice3A_203 = vector.extract_strided_slice %concatenate3A_198 {offsets = [0, 0], sizes = [64, 16], strides = [1, 1]} : vector<64x17xf32> to vector<64x16xf32>
    %sub3A_204 = arith.subf %slice3A_202, %slice3A_203 : vector<64x16xf32>
    %broadcast_in_dim3A_205 = arith.constant 1.000000e+00 : f32
    %broadcast_in_dim3A_206 = vector.broadcast %broadcast_in_dim3A_205 : f32 to vector<64x1xf32>
    %concatenate3A_207 = tpu.concatenate %broadcast_in_dim3A_206, %add3A_36, %broadcast_in_dim3A_206 in 1 : vector<64x1xf32>, vector<64x15xf32>, vector<64x1xf32> -> vector<64x17xf32>
    %slice3A_208 = vector.extract_strided_slice %concatenate3A {offsets = [0, 0], sizes = [64, 16], strides = [1, 1]} : vector<64x17xf32> to vector<64x16xf32>
    %swap3A = arith.constant 0 : index
    %swap3A_209 = arith.constant 0 : index
    %swap3A_210 = arith.constant 0 : index
    %swap3A_211 = vector.load %arg3[%swap3A, %swap3A_209, %swap3A_210] : memref<6x64x16xf32, #tpu.memory_space<vmem>>, vector<1x64x16xf32>
    %swap3A_212 = vector.shape_cast %swap3A_211 : vector<1x64x16xf32> to vector<64x16xf32>
    %swap3A_213 = vector.shape_cast %slice3A_208 : vector<64x16xf32> to vector<1x64x16xf32>
    tpu.vector_store %arg3[%swap3A, %swap3A_209, %swap3A_210], %swap3A_213 {strides = array<i32>} : memref<6x64x16xf32, #tpu.memory_space<vmem>>, vector<1x64x16xf32>,
    %div3A_214 = arith.constant 1.000000e+00 : f32
    %div3A_215 = vector.broadcast %div3A_214 : f32 to vector<64x16xf32>
    %div3A_216 = arith.divf %div3A_215, %sub3A_201 : vector<64x16xf32>
    %swap3A_217 = arith.constant 1 : index
    %swap3A_218 = arith.constant 0 : index
    %swap3A_219 = arith.constant 0 : index
    %swap3A_220 = vector.load %arg3[%swap3A_217, %swap3A_218, %swap3A_219] : memref<6x64x16xf32, #tpu.memory_space<vmem>>, vector<1x64x16xf32>
    %swap3A_221 = vector.shape_cast %swap3A_220 : vector<1x64x16xf32> to vector<64x16xf32>
    %swap3A_222 = vector.shape_cast %div3A_216 : vector<64x16xf32> to vector<1x64x16xf32>
    tpu.vector_store %arg3[%swap3A_217, %swap3A_218, %swap3A_219], %swap3A_222 {strides = array<i32>} : memref<6x64x16xf32, #tpu.memory_space<vmem>>, vector<1x64x16xf32>,
    %slice3A_223 = vector.extract_strided_slice %concatenate3A_198 {offsets = [0, 0], sizes = [64, 16], strides = [1, 1]} : vector<64x17xf32> to vector<64x16xf32>
    %swap3A_224 = arith.constant 2 : index
    %swap3A_225 = arith.constant 0 : index
    %swap3A_226 = arith.constant 0 : index
    %swap3A_227 = vector.load %arg3[%swap3A_224, %swap3A_225, %swap3A_226] : memref<6x64x16xf32, #tpu.memory_space<vmem>>, vector<1x64x16xf32>
    %swap3A_228 = vector.shape_cast %swap3A_227 : vector<1x64x16xf32> to vector<64x16xf32>
    %swap3A_229 = vector.shape_cast %slice3A_223 : vector<64x16xf32> to vector<1x64x16xf32>
    tpu.vector_store %arg3[%swap3A_224, %swap3A_225, %swap3A_226], %swap3A_229 {strides = array<i32>} : memref<6x64x16xf32, #tpu.memory_space<vmem>>, vector<1x64x16xf32>,
    %swap3A_230 = arith.constant 3 : index
    %swap3A_231 = arith.constant 0 : index
    %swap3A_232 = arith.constant 0 : index
    %swap3A_233 = vector.load %arg3[%swap3A_230, %swap3A_231, %swap3A_232] : memref<6x64x16xf32, #tpu.memory_space<vmem>>, vector<1x64x16xf32>
    %swap3A_234 = vector.shape_cast %swap3A_233 : vector<1x64x16xf32> to vector<64x16xf32>
    %swap3A_235 = vector.shape_cast %sub3A_204 : vector<64x16xf32> to vector<1x64x16xf32>
    tpu.vector_store %arg3[%swap3A_230, %swap3A_231, %swap3A_232], %swap3A_235 {strides = array<i32>} : memref<6x64x16xf32, #tpu.memory_space<vmem>>, vector<1x64x16xf32>,
    %slice3A_236 = vector.extract_strided_slice %concatenate3A_207 {offsets = [0, 0], sizes = [64, 16], strides = [1, 1]} : vector<64x17xf32> to vector<64x16xf32>
    %swap3A_237 = arith.constant 4 : index
    %swap3A_238 = arith.constant 0 : index
    %swap3A_239 = arith.constant 0 : index
    %swap3A_240 = vector.load %arg3[%swap3A_237, %swap3A_238, %swap3A_239] : memref<6x64x16xf32, #tpu.memory_space<vmem>>, vector<1x64x16xf32>
    %swap3A_241 = vector.shape_cast %swap3A_240 : vector<1x64x16xf32> to vector<64x16xf32>
    %swap3A_242 = vector.shape_cast %slice3A_236 : vector<64x16xf32> to vector<1x64x16xf32>
    tpu.vector_store %arg3[%swap3A_237, %swap3A_238, %swap3A_239], %swap3A_242 {strides = array<i32>} : memref<6x64x16xf32, #tpu.memory_space<vmem>>, vector<1x64x16xf32>,
    %slice3A_243 = vector.extract_strided_slice %concatenate3A_207 {offsets = [0, 1], sizes = [64, 16], strides = [1, 1]} : vector<64x17xf32> to vector<64x16xf32>
    %swap3A_244 = arith.constant 5 : index
    %swap3A_245 = arith.constant 0 : index
    %swap3A_246 = arith.constant 0 : index
    %swap3A_247 = vector.load %arg3[%swap3A_244, %swap3A_245, %swap3A_246] : memref<6x64x16xf32, #tpu.memory_space<vmem>>, vector<1x64x16xf32>
    %swap3A_248 = vector.shape_cast %swap3A_247 : vector<1x64x16xf32> to vector<64x16xf32>
    %swap3A_249 = vector.shape_cast %slice3A_243 : vector<64x16xf32> to vector<1x64x16xf32>
    tpu.vector_store %arg3[%swap3A_244, %swap3A_245, %swap3A_246], %swap3A_249 {strides = array<i32>} : memref<6x64x16xf32, #tpu.memory_space<vmem>>, vector<1x64x16xf32>,
    return
  }
}

</mosaic_0001>

<sc_bundles>
// kernel: kernel.4.cloned.1.call-start
scs
__scs_entry_jumppad:
0x0: {  	(pc) =	sbr.rel $0x88, $3  }
0x1: {  	(tag) =	ssettag $0x0;
	lr =	simm.s32 $0x1  }
0x2: {  	[smem:$0x3F9D] =	sst lr;
	_ =	strace $0xD0000000  }
0x3: {  	_ = 	snop  }
0x4: {  	_ = 	snop  }
0x5: {  	_ = 	snop  }
0x6: {  	_ = 	snop  }
0x7: {  	_ = 	snop  }
__scs_overlays_trampoline_lowered:
0x8: {  	[smem:$0x3FAC] =	sst s0  }
0x9: {  	[smem:$0x3FAD] =	sst s1  }
0xa: {  	[smem:$0x3FAE] =	sst s2  }
0xb: {  	[smem:$0x3FAF] =	sst s3  }
0xc: {  	[smem:$0x3FB0] =	sst s4  }
0xd: {  	[smem:$0x3FB1] =	sst s5  }
0xe: {  	[smem:$0x3FB2] =	sst s6  }
0xf: {  	[smem:$0x3FB3] =	sst s7  }
0x10: {  	[smem:$0x3FB4] =	sst s8  }
0x11: {  	[smem:$0x3FB5] =	sst s9;
	s0 =	simm.s32 @!p0 $0x0  }
0x12: {  	s1 =	sld [smem:$0x3F9B];
	s0 =	simm.s32 @p0 $0x1  }
0x13: {  	[smem:$0x3FB6] =	sst s0;
	s0 =	simm.s32 @!p1 $0x0  }
0x14: {  	s2 =	sld [smem:$0x3F9A];
	s0 =	simm.s32 @p1 $0x1  }
0x15: {  	[smem:$0x3FB7] =	sst s0;
	s0 =	simm.s32 @!p2 $0x0  }
0x16: {  	s3 =	sld [smem:$0x3FDB];
	s0 =	simm.s32 @p2 $0x1  }
0x17: {  	s4 =	simm.s32 $0x1BF5;
	[smem:$0x3FB9] =	sst s0  }
0x18: {  	s0 =	sld [smem:$0x3F9C];
	_ =	swait.ge [sflag:s4], $0x0  }
0x19: {  	s7 =	sld [smem:$0x3F9D]  }
0x1a: {  	s8 =	sadd.s32 $0xFFFFE003, lr  }
0x1b: {  	s9 =	sadd.s32 $0xFFFFFEF7, lr;
	s5 =	simm.s32 $0xFFFFFFFF;
	p2 =	slt.u32 s8, $0xFFFFF086  }
0x1c: {  	p1 =	slt.u32 s9, $0xF7A;
	s5 =	simm.s32 @!p2 $0x0  }
0x1d: {  	s5 =	simm.s32 @p1 $0x1;
	p0 =	seq.s32 s7, s2  }
0x1e: {  	s7 =	smul.u32 @!p0 $0xF7A, s2;
	p2 =	seq.s32 @!p0 s5, $0x0  }
0x1f: {  	s9 =	smul.u32 $0xF7A, s1;
	s8 =	simm.s32 @!p0 $0x1BF5;
	p2 =	por !p2, p0  }
0x20: {  	[sflag:s8] =	ssyncset.s32 @!p0 $0xFFFFF086;
	s6 =	sadd.s32 @!p0 s3, s7;
	s7 =	simm.s32 @!p0 $0x108  }
0x21: {  	s3 =	sadd.s32 s3, s9;
	s6 =	sadd.s32 @!p0 $0x88, s6;
	s7 =	simm.s32 @p2 $0x1082  }
0x22: {  	[simem:s7], [sflag:s8] =	dma.local @!p0 [hbm:s6], $0xF7A  }
0x23: {  	s9 =	sor.u32 $0xD0000000, s2;
	s6 =	simm.s32 $0x108;
	_ =	swait.ge @!p0 [sflag:s8], $0x0  }
0x24: {  	s3 =	sadd.s32 $0x88, s3;
	s6 =	simm.s32 @!p1 $0x1082;
	[sflag:s4] =	ssyncset.s32 $0xFFFFF086  }
0x25: {  	[simem:s6], [sflag:s4] =	dma.local [hbm:s3], $0xF7A  }
0x26: {  	[smem:$0x3F9D] =	sst s1;
	(tag) =	ssettag s2;
	_ =	strace s9  }
0x27: {  	s1 =	sld [smem:$0x3FAD]  }
0x28: {  	s2 =	sld [smem:$0x3FAE]  }
0x29: {  	s4 =	sld [smem:$0x3FB0]  }
0x2a: {  	p0 =	seq.s32 s5, $0x0;
	s5 =	sld [smem:$0x3FB1]  }
0x2b: {  	s6 =	sld [smem:$0x3FB2]  }
0x2c: {  	s7 =	sld [smem:$0x3FB3]  }
0x2d: {  	s3 =	simm.s32 $0x108;
	s8 =	sld [smem:$0x3FB4]  }
0x2e: {  	s3 =	simm.s32 @!p0 $0x1082;
	s9 =	sld [smem:$0x3FB5]  }
0x2f: {  	lr =	sadd.s32 s0, s3;
	s0 =	sld [smem:$0x3FAC]  }
0x30: {  	s3 =	sld [smem:$0x3FAF]  }
0x31: {  	[smem:$0x3FB8] =	sst s10  }
0x32: {  	s10 =	sld [smem:$0x3FB6];
	_ =	sdelay $0x3  }
0x33: {  	p0 =	seq.s32 s10, $0x1;
	s10 =	sld [smem:$0x3FB8];
	_ =	sdelay $0x3  }
0x34: {  	[smem:$0x3FB8] =	sst s10  }
0x35: {  	s10 =	sld [smem:$0x3FB7];
	_ =	sdelay $0x3  }
0x36: {  	p1 =	seq.s32 s10, $0x1;
	s10 =	sld [smem:$0x3FB8];
	_ =	sdelay $0x3  }
0x37: {  	[smem:$0x3FB8] =	sst s10  }
0x38: {  	s10 =	sld [smem:$0x3FB9]  }
0x39: {  	_ = 	snop;
	(pc) =	sbr.ind lr, $3  }
0x3a: {  	_ = 	snop  }
0x3b: {  	_ = 	snop  }
0x3c: {  	p2 =	seq.s32 s10, $0x1;
	s10 =	sld [smem:$0x3FB8]  }
0x3d: {  	_ =	shalt  }
0x3e: {  	_ =	shalt  }
0x3f: {  	_ =	shalt  }
0x40: {  	_ =	shalt  }
0x41: {  	_ =	shalt  }
0x42: {  	_ =	shalt  }
0x43: {  	_ =	shalt  }
0x44: {  	_ =	shalt  }
0x45: {  	_ =	shalt  }
0x46: {  	_ =	shalt  }
0x47: {  	_ =	shalt  }
0x48: {  	_ =	shalt  }
0x49: {  	_ =	shalt  }
0x4a: {  	_ =	shalt  }
0x4b: {  	_ =	shalt  }
0x4c: {  	_ =	shalt  }
0x4d: {  	_ =	shalt  }
0x4e: {  	_ =	shalt  }
0x4f: {  	_ =	shalt  }
0x50: {  	_ =	shalt  }
0x51: {  	_ =	shalt  }
0x52: {  	_ =	shalt  }
0x53: {  	_ =	shalt  }
0x54: {  	_ =	shalt  }
0x55: {  	_ =	shalt  }
0x56: {  	_ =	shalt  }
0x57: {  	_ =	shalt  }
0x58: {  	_ =	shalt  }
0x59: {  	_ =	shalt  }
0x5a: {  	_ =	shalt  }
0x5b: {  	_ =	shalt  }
0x5c: {  	_ =	shalt  }
0x5d: {  	_ =	shalt  }
0x5e: {  	_ =	shalt  }
0x5f: {  	_ =	shalt  }
0x60: {  	_ =	shalt  }
0x61: {  	_ =	shalt  }
0x62: {  	_ =	shalt  }
0x63: {  	_ =	shalt  }
0x64: {  	_ =	shalt  }
0x65: {  	_ =	shalt  }
0x66: {  	_ =	shalt  }
0x67: {  	_ =	shalt  }
0x68: {  	_ =	shalt  }
0x69: {  	_ =	shalt  }
0x6a: {  	_ =	shalt  }
0x6b: {  	_ =	shalt  }
0x6c: {  	_ =	shalt  }
0x6d: {  	_ =	shalt  }
0x6e: {  	_ =	shalt  }
0x6f: {  	_ =	shalt  }
0x70: {  	_ =	shalt  }
0x71: {  	_ =	shalt  }
0x72: {  	_ =	shalt  }
0x73: {  	_ =	shalt  }
0x74: {  	_ =	shalt  }
0x75: {  	_ =	shalt  }
0x76: {  	_ =	shalt  }
0x77: {  	_ =	shalt  }
0x78: {  	_ =	shalt  }
0x79: {  	_ =	shalt  }
0x7a: {  	_ =	shalt  }
0x7b: {  	_ =	shalt  }
0x7c: {  	_ =	shalt  }
0x7d: {  	_ =	shalt  }
0x7e: {  	_ =	shalt  }
0x7f: {  	_ =	shalt  }
0x80: {  	_ =	shalt  }
0x81: {  	_ =	shalt  }
0x82: {  	_ =	shalt  }
0x83: {  	_ =	shalt  }
0x84: {  	_ =	shalt  }
0x85: {  	_ =	shalt  }
0x86: {  	_ =	shalt  }
0x87: {  	_ =	shalt  }
.Lfunc_end0:
.L_simem_size_0:
called_computation_lowered:
.L_overlay_start_0:
0x88: {  	s2 =	sld [smem:$0x3FD9]  }
0x89: {  	s3 =	sld [smem:$0x3FFE];
	_ =	sdelay $0x1  }
0x8a: {  	s1 =	srdreg.scid  }
0x8b: {  	s0 =	sand.u32 $0x1, s1  }
0x8c: {  	s14 =	sshll.u32 s0, $0xA;
	s2 =	sadd.s32 s3, s2  }
0x8d: {  	s2 =	sadd.s32 s2, s14  }
0x8e: {  	[smem:$0x3FC4] =	sst s2  }
0x8f: {  	_ = 	snop  }
0x90: {  	s2 =	sld [smem:$0x3FD0];
	_ =	sdelay $0x2  }
0x91: {  	s15 =	simm.s32 $0xA;
	s4 =	simm.s32 $0x10  }
0x92: {  	[smem:s4], [sflag:s15] =	dma.local [hbm:s2], $0x1  }
0x93: {  	_ =	swait.eq [sflag:s15], $0x1  }
0x94: {  	[sflag:s15] =	ssyncset.done $0x0  }
0x95: {  	s16 =	sld [smem:$0x10];
	[sflag:s15] =	ssyncadd.s32 $0xFFFFFFFF  }
0x96: {  	s17 =	sld [smem:$0x11];
	(tm) =	ssettm $0x1  }
0x97: {  	s18 =	sld [smem:$0x3FFB];
	_ =	sdelay $0x3  }
0x98: {  	_ =	strace s18  }
0x99: {  	s4 =	sld [smem:$0x3FFC];
	_ =	sdelay $0x3  }
0x9a: {  	_ =	strace s4  }
0x9b: {  	s4 =	sld [smem:$0x3FFD];
	_ =	sdelay $0x3  }
0x9c: {  	_ =	strace s4  }
0x9d: {  	_ =	strace $0x8FFFFFFF  }
0x9e: {  	s19 =	sld [smem:$0x3FDB];
	_ =	sdelay $0x1  }
0x9f: {  	s5 =	simm.s32 $_scs_section_size  }
0xa0: {  	s6 =	simm.s32 $_size__tile_overlayer_lowered;
	s7 =	simm.s32 $_tile_overlayer_lowered  }
0xa1: {  	s22 =	simm.s32 $0x1BFF;
	s21 =	sshll.u32 s7, $0x1;
	s4 =	sadd.s32 s5, s19  }
0xa2: {  	s8 =	simm.s32 $0x0;
	s20 =	sshll.u32 s6, $0x1;
	s6 =	sadd.s32 s21, s4  }
0xa3: {  	[timem:s8], [sflag:s22] =	dma.local [hbm:s6], s20  }
0xa4: {  	_ =	swait.ge [sflag:s22], s20  }
0xa5: {  	s5 =	ssub.s32 $0x0, s20;
	[sflag:s22] =	ssyncset.done $0x0  }
0xa6: {  	[sflag:s22] =	ssyncadd.s32 s5;
	_ =	sdelay $0x1  }
0xa7: {  	s23 =	simm.s32 $0x1B8B  }
0xa8: {  	_ =	swait.ge [sflag:s23], $0x1  }
0xa9: {  	[sflag:s23] =	ssyncset.done $0x0  }
0xaa: {  	s25 =	simm.s32 $0x1B8E;
	s24 =	sld [smem:$0x3FFE];
	[sflag:s23] =	ssyncadd.s32 $0xFFFFFFFF  }
0xab: {  	s26 =	simm.s32 $execute0_lowered;
	[smem:$0x3FD2] =	sst s25  }
0xac: {  	s6 =	sshll.u32 s26, $0x1;
	_ =	strace $0x80000046;
	[dreg:$0x1] =	wrdreg $0xFFFFFFFF  }
0xad: {  	s28 =	simm.s32 $_size_execute0_lowered;
	s4 =	sadd.s32 s4, s6;
	[dreg:$0x0] =	wrdreg $0x0  }
0xae: {  	s6 =	sshll.u32 s28, $0x1;
	[dreg:$0x2] =	wrdreg s4  }
0xaf: {  	[dreg:$0x3] =	wrdreg s6  }
0xb0: {  	[dreg:$0x4] =	wrdreg $0xC0  }
0xb1: {  	_ =	task [dreg:s8], $0x5FFFF  }
0xb2: {  	[dreg:$0x1] =	wrdreg $0xFFFFFFFF  }
0xb3: {  	[dreg:$0x0] =	wrdreg $0x60  }
0xb4: {  	[dreg:$0x2] =	wrdreg s17  }
0xb5: {  	[dreg:$0x3] =	wrdreg s24  }
0xb6: {  	[dreg:$0x4] =	wrdreg s16  }
0xb7: {  	[dreg:$0x5] =	wrdreg $0x9  }
0xb8: {  	_ =	task.clear_ibuf [dreg:s8], $0x6FFFF;
	_ =	strace $0x90000046  }
0xb9: {  	s29 =	simm.s32 $0x9;
	_ =	strace $0x80000048  }
0xba: {  	_ =	swait.ge [sflag:s29], $0x1  }
0xbb: {  	[sflag:s29] =	ssyncadd.s32 $0xFFFFFFFF  }
0xbc: {  	_ =	strace $0x90000048  }
0xbd: {  	_ =	sfence  }
0xbe: {  	s30 =	sld [smem:$0x0];
	_ =	sdelay $0x2  }
0xbf: {  	s31 =	sshll.u32 s1, $0xD;
	s1 =	sshrl.u32 s1, $0x2  }
0xc0: {  	s3 =	sand.u32 $0x4000, s31;
	s1 =	sadd.s32 s1, s30  }
0xc1: {  	s0 =	sor.u32 s3, s0;
	s1 =	sshll.u32 s1, $0x11  }
0xc2: {  	s0 =	sor.u32 s1, s0  }
0xc3: {  	s0 =	sadd.s32 $0x8F2B, s0  }
0xc4: {  	[sflag:s0] =	ssyncadd.remote.s32 $0x1  }
0xc5: {  	_ =	sfence.sel $0xFFFF  }
0xc6: {  	[dreg:$0x0] =	wrdreg $0xFFFFFFFF;
	(pc) =	sbr.abs _section_cstart, $3  }
0xc7: {  	[dreg:$0x1] =	wrdreg $0xFFFFFFFF  }
0xc8: {  	_ =	task.clear_ibuf [dreg:s8], $0x2FFFF;
	_ =	strace $0x9FFFFFFF  }
0xc9: {  	(tm) =	ssettm $0x7FFFFFFF  }
tec
execute0_lowered:
.L_overlay_start_1:
0x0: {  	(tag) =	ssettag $0x1  }
0x1: {  	s0 =	rddreg [dreg:$0x0]  }
0x2: {  	s1 =	rddreg [dreg:$0x1]  }
0x3: {  	s10 =	rddreg [dreg:$0x2]  }
0x4: {  	s2 =	simm.s32 $0x0;
	s3 =	srdreg.scid;
	s4 =	stileid.u32  }
0x5: {  	s14 =	simm.s32 $0x18000;
	s15 =	simm.s32 $0x18400;
	s16 =	simm.s32 $0x18800  }
0x6: {  	s17 =	simm.s32 $0x18C00;
	s18 =	simm.s32 $0x19000;
	s19 =	simm.s32 $0x19400  }
0x7: {  	s20 =	simm.s32 $0x8000;
	s21 =	simm.s32 $0x10000;
	s22 =	simm.s32 $0x0  }
0x8: {  	[smem:$0x7FF] =	sst s2;
	s3 =	sand.u32 $0x1, s3;
	s4 =	sshll.u32 s4, $0xD  }
0x9: {  	s7 =	sadd.s32 $0x1180, s1;
	s8 =	sadd.s32 $0x1200, s1;
	s9 =	sadd.s32 $0x1280, s1  }
0xa: {  	v1 =	vlaneseq.u32;
	_ =	strace $0x80000047;
	s5 =	sshll.u32 s3, $0xC;
	s6 =	ssub.s32 $0x2, s3  }
0xb: {  	v0 =	vmul.u32 $0x10, v1;
	v1 =	vand.u32 $0x7, v1;
	s3 =	sadd.s32 $0x1000, s1;
	s11 =	sor.u32 s5, s4;
	s31 =	sshrl.u32 s6, $0x1  }
0xc: {  	v4 =	vmul.u32 $0x10, v1;
	s5 =	sadd.s32 $0x1080, s1;
	s12 =	sadd.s32 s11, s1;
	s13 =	ssub.s32 s6, s31  }
0xd: {  	v51 =	vimm.s32 $0x0;
	s4 =	sadd.s32 s0, s11;
	s6 =	sadd.s32 $0x1100, s1;
	s10 =	sadd.s32 s10, s11  }
0xe: {  	v1 =	vor.u32 $0x8, v0;
	v3 =	vor.u32 $0x4, v4;
	v4 =	vor.u32 $0x2, v4;
	s11 =	sadd.s32 $0x1400, s12;
	s12 =	smax.u32 s13, $0x1;
	s13 =	simm.s32 $0x1  }
.LBB2_1:
0xf: {  	[tilespmem:s2], [sflag:$0x1] =	stream.linear.gather [hbm4b:s4+s2], $0x8000, $0x38;
	[tilespmem:$0x19800] =	vst v63  }
0x10: {  	_ =	swait.ge [sflag:s13], $0x8000  }
0x11: {  	[sflag:s13] =	ssyncset.done $0x0  }
0x12: {  	[sflag:s13] =	ssyncadd.s32 $0xFFFF8000  }
0x13: {  	[tilespmem:s14], [sflag:$0x1] =	stream.linear.gather [hbm4b:s3+s2], $0x400, $0x38;
	[tilespmem:$0x19800] =	vst v63  }
0x14: {  	_ =	swait.ge [sflag:s13], $0x400  }
0x15: {  	[sflag:s13] =	ssyncset.done $0x0  }
0x16: {  	[sflag:s13] =	ssyncadd.s32 $0xFFFFFC00  }
0x17: {  	[tilespmem:s15], [sflag:$0x1] =	stream.linear.gather [hbm4b:s5+s2], $0x400, $0x38;
	[tilespmem:$0x19800] =	vst v63  }
0x18: {  	_ =	swait.ge [sflag:s13], $0x400  }
0x19: {  	[sflag:s13] =	ssyncset.done $0x0  }
0x1a: {  	[sflag:s13] =	ssyncadd.s32 $0xFFFFFC00  }
0x1b: {  	[tilespmem:s16], [sflag:$0x1] =	stream.linear.gather [hbm4b:s6+s2], $0x400, $0x38;
	[tilespmem:$0x19800] =	vst v63  }
0x1c: {  	_ =	swait.ge [sflag:s13], $0x400  }
0x1d: {  	[sflag:s13] =	ssyncset.done $0x0  }
0x1e: {  	[sflag:s13] =	ssyncadd.s32 $0xFFFFFC00  }
0x1f: {  	[tilespmem:s17], [sflag:$0x1] =	stream.linear.gather [hbm4b:s7+s2], $0x400, $0x38;
	[tilespmem:$0x19800] =	vst v63  }
0x20: {  	_ =	swait.ge [sflag:s13], $0x400  }
0x21: {  	[sflag:s13] =	ssyncset.done $0x0  }
0x22: {  	[sflag:s13] =	ssyncadd.s32 $0xFFFFFC00  }
0x23: {  	[tilespmem:s18], [sflag:$0x1] =	stream.linear.gather [hbm4b:s8+s2], $0x400, $0x38;
	[tilespmem:$0x19800] =	vst v63  }
0x24: {  	_ =	swait.ge [sflag:s13], $0x400  }
0x25: {  	[sflag:s13] =	ssyncset.done $0x0  }
0x26: {  	[sflag:s13] =	ssyncadd.s32 $0xFFFFFC00  }
0x27: {  	[tilespmem:s19], [sflag:$0x1] =	stream.linear.gather [hbm4b:s9+s2], $0x400, $0x38;
	[tilespmem:$0x19800] =	vst v63  }
0x28: {  	s23 =	simm.s32 $0xFFFFFFB0;
	_ =	swait.ge [sflag:s13], $0x400  }
0x29: {  	s24 =	simm.s32 $0x10020;
	s25 =	simm.s32 $0x8020;
	[sflag:s13] =	ssyncset.done $0x0  }
0x2a: {  	s26 =	simm.s32 $0x20;
	s28 =	simm.s32 $0x0;
	[sflag:s13] =	ssyncadd.s32 $0xFFFFFC00  }
.LBB2_2:
0x2b: {  	s0 =	sand.u32 $0x300, s28  }
0x2c: {  	v5 =	vor.u32 s0, v1;
	_ =	sdelay $0x2  }
0x2d: {  	v7 =	vld [tilespmem:s26+$0xFFFFFFE0];
	_ =	sdelay $0x1  }
0x2e: {  	v16 =	vld.idx.msk [tilespmem:v5+s14+$0x0], $0xffff;
	_ =	sdelay $0x2  }
0x2f: {  	v5 =	vmax.f32 v7, $-2.000000000e+01  }
0x30: {  	v17 =	vor.u32 s0, v0;
	v11 =	vmin.f32 v5, $2.000000000e+01  }
0x31: {  	v5 =	vand.u32 $0x380, v17;
	vm0 =	vge.f32 v11, v16  }
0x32: {  	v28 =	vor.u32 v3, v5;
	v8 =	vsel vm0, $0x8, v51  }
0x33: {  	v6 =	vor.u32 v8, v28;
	_ =	sdelay $0x2  }
0x34: {  	s1 =	sadd.s32 $0x100, s28  }
0x35: {  	s0 =	sand.u32 $0x300, s1  }
0x36: {  	v9 =	vor.u32 s0, v1;
	v12 =	vld.idx.msk [tilespmem:v6+s14+$0x0], $0xffff;
	_ =	sdelay $0x2  }
0x37: {  	v6 =	vld [tilespmem:s26+$0xFFFFFFF0];
	_ =	sdelay $0x1  }
0x38: {  	v13 =	vld.idx.msk [tilespmem:v9+s14+$0x0], $0xffff;
	v10 =	vor.u32 $0x4, v8;
	vm3 =	vge.f32 v11, v12  }
0x39: {  	v29 =	vor.u32 v4, v5;
	v8 =	vsel vm3, v10, v8  }
0x3a: {  	v5 =	vor.u32 v8, v29  }
0x3b: {  	v48 =	vmax.f32 v6, $-2.000000000e+01  }
0x3c: {  	v9 =	vmin.f32 v48, $2.000000000e+01  }
0x3d: {  	v14 =	vor.u32 s0, v0;
	vm2 =	vge.f32 v9, v13  }
0x3e: {  	v15 =	vand.u32 $0x380, v14;
	v49 =	vsel vm2, $0x8, v51  }
0x3f: {  	v18 =	vld.idx.msk [tilespmem:v5+s14+$0x0], $0xffff;
	v5 =	vor.u32 v49, v15  }
0x40: {  	v5 =	vor.u32 v3, v5;
	_ =	sdelay $0x3  }
0x41: {  	v19 =	vor.u32 $0x2, v8;
	vm5 =	vge.f32 v11, v18  }
0x42: {  	v8 =	vsel vm5, v19, v8;
	v22 =	vld.idx.msk [tilespmem:v5+s14+$0x0], $0xffff  }
0x43: {  	s1 =	sadd.s32 $0x200, s28;
	v19 =	vor.u32 $0x1, v8  }
0x44: {  	s0 =	sand.u32 $0x300, s1;
	v20 =	vor.u32 v17, v19  }
0x45: {  	v21 =	vor.u32 s0, v1;
	_ =	sdelay $0x1  }
0x46: {  	v23 =	vor.u32 $0x4, v49;
	vm4 =	vge.f32 v9, v22  }
0x47: {  	v5 =	vld [tilespmem:s26+$0x0];
	v23 =	vsel vm4, v23, v49  }
0x48: {  	v20 =	vld.idx.msk [tilespmem:v20+s14+$0x0], $0xffff;
	v10 =	vor.u32 v23, v15  }
0x49: {  	v32 =	vld.idx.msk [tilespmem:v21+s14+$0x0], $0xffff;
	v50 =	vor.u32 v4, v10;
	_ =	sdelay $0x2  }
0x4a: {  	v52 =	vmax.f32 v5, $-2.000000000e+01  }
0x4b: {  	v10 =	vmin.f32 v52, $2.000000000e+01;
	vm7 =	vge.f32 v11, v20  }
0x4c: {  	v34 =	vor.u32 s0, v0;
	vm1 =	vge.f32 v10, v32;
	v8 =	vsel vm7, v19, v8;
	v25 =	vld.idx.msk [tilespmem:v50+s14+$0x0], $0xffff  }
0x4d: {  	v26 =	vand.u32 $0x380, v34;
	v24 =	vsel vm1, $0x8, v51;
	v15 =	vadd.s32 v17, v8  }
0x4e: {  	v53 =	vor.u32 v24, v26  }
0x4f: {  	v8 =	vor.u32 v3, v53;
	_ =	sdelay $0x1  }
0x50: {  	v27 =	vor.u32 $0x2, v23;
	vm6 =	vge.f32 v9, v25  }
0x51: {  	v54 =	vnsel vm0, $0xC1A00000, v16;
	v55 =	vld.idx.msk [tilespmem:v15+s15+$0x0], $0xffff;
	v23 =	vsel vm6, v27, v23  }
0x52: {  	v12 =	vsel vm3, v12, v54;
	v19 =	vld.idx.msk [tilespmem:v15+s17+$0x0], $0xffff;
	v56 =	vor.u32 $0x1, v23  }
0x53: {  	v12 =	vsel vm5, v18, v12;
	v35 =	vld.idx.msk [tilespmem:v8+s14+$0x0], $0xffff;
	v58 =	vor.u32 v14, v56  }
0x54: {  	s1 =	sadd.s32 $0x300, s28;
	v57 =	vsel vm7, v20, v12;
	v20 =	vld.idx.msk [tilespmem:v15+s18+$0x0], $0xffff  }
0x55: {  	s0 =	sand.u32 $0x300, s1;
	v59 =	vld.idx.msk [tilespmem:v15+s19+$0x0], $0xffff  }
0x56: {  	v30 =	vor.u32 s0, v1  }
0x57: {  	v8 =	vsub.f32 v11, v57  }
0x58: {  	v33 =	vor.u32 $0x4, v24;
	vm14 =	vge.f32 v10, v35;
	v37 =	vld.idx.msk [tilespmem:v58+s14+$0x0], $0xffff  }
0x59: {  	v31 =	vmul.f32 v8, v55;
	v21 =	vmul.f32 v19, v55;
	v8 =	vld [tilespmem:s26+$0x10];
	v33 =	vsel vm14, v33, v24  }
0x5a: {  	v60 =	vadd.f32 v59, v20;
	v24 =	vor.u32 v33, v26  }
0x5b: {  	v39 =	vld.idx.msk [tilespmem:v30+s14+$0x0], $0xffff;
	v36 =	vsub.f32 $1.000000000e+00, v31;
	v38 =	vadd.f32 v21, v21;
	v26 =	vor.u32 v4, v24;
	_ =	sdelay $0x1  }
0x5c: {  	v24 =	vmul.f32 v36, v31;
	v12 =	vsub.f32 v60, v38;
	vm15 =	vge.f32 v9, v37  }
0x5d: {  	v61 =	vmax.f32 v8, $-2.000000000e+01;
	v18 =	vsel vm15, v56, v23  }
0x5e: {  	v40 =	vmul.f32 v24, v12;
	v12 =	vmin.f32 v61, $2.000000000e+01;
	v18 =	vadd.s32 v14, v18  }
0x5f: {  	v42 =	vor.u32 s0, v0;
	vm9 =	vge.f32 v12, v39;
	v43 =	vld.idx.msk [tilespmem:v26+s14+$0x0], $0xffff  }
0x60: {  	v63 =	vand.u32 $0x380, v42;
	v62 =	vsel vm9, $0x8, v51;
	v45 =	vadd.f32 v40, v21  }
0x61: {  	v13 =	vnsel vm2, $0xC1A00000, v13;
	v46 =	vor.u32 v62, v63  }
0x62: {  	v26 =	vmul.f32 v31, v31;
	v31 =	vor.u32 v3, v46;
	(erf) = vrcp.f32 v45  }
0x63: {  	v13 =	vsel vm4, v22, v13;
	v41 =	vor.u32 $0x2, v33;
	v48 =	vmul.f32 v36, v20;
	v49 =	vld.idx.msk [tilespmem:v18+s15+$0x0], $0xffff  }
0x64: {  	v47 =	vmul.f32 v24, v38;
	v27 =	vmul.f32 v26, v59;
	vm10 =	vge.f32 v10, v43;
	v22 =	vld.idx.msk [tilespmem:v18+s17+$0x0], $0xffff  }
0x65: {  	v13 =	vsel vm6, v25, v13;
	v44 =	vsel vm10, v41, v33;
	v25 =	vld.idx.msk [tilespmem:v18+s18+$0x0], $0xffff  }
0x66: {  	v50 =	vmul.f32 v48, v36;
	v27 =	vadd.f32 v47, v27;
	v55 =	vld.idx.msk [tilespmem:v18+s19+$0x0], $0xffff;
	v52 =	vor.u32 $0x1, v44  }
0x67: {  	v45 =	vld.idx.msk [tilespmem:v31+s14+$0x0], $0xffff;
	v53 =	vor.u32 v34, v52  }
0x68: {  	v54 =	vmul.f32 v21, v21;
	v13 =	vsel vm15, v37, v13;
	v27 =	vadd.f32 v27, v50  }
0x69: {  	v13 =	vsub.f32 v9, v13  }
0x6a: {  	v33 =	vmul.f32 v27, v54  }
0x6b: {  	v57 =	vor.u32 $0x4, v62;
	v56 =	vmul.f32 v13, v49;
	v30 =	vpop (erf);
	v27 =	vmul.f32 v22, v49  }
0x6c: {  	v58 =	vadd.f32 v55, v25;
	vm11 =	vge.f32 v12, v45;
	v33 =	vmul.f32 v33, v30;
	v46 =	vld.idx.msk [tilespmem:v53+s14+$0x0], $0xffff  }
0x6d: {  	v13 =	vld [tilespmem:s26+$0x20];
	v40 =	vsub.f32 $1.000000000e+00, v56;
	v47 =	vsel vm11, v57, v62;
	v48 =	vadd.f32 v27, v27  }
0x6e: {  	v23 =	vor.u32 v47, v63;
	v33 =	vmul.f32 v33, v30  }
0x6f: {  	v49 =	vor.u32 v4, v23;
	v31 =	vmul.f32 v40, v56;
	v14 =	vsub.f32 v58, v48  }
0x70: {  	v59 =	vand.u32 $0x7FFFFF, v33  }
0x71: {  	v41 =	vor.u32 $0x3F800000, v59;
	v14 =	vmul.f32 v31, v14;
	vm12 =	vge.f32 v10, v46  }
0x72: {  	v61 =	vmax.f32 v13, $-2.000000000e+01;
	v50 =	vadd.f32 $1.000000000e+00, v41;
	v60 =	vsel vm12, v52, v44  }
0x73: {  	v62 =	vadd.f32 v14, v27;
	v14 =	vmin.f32 v61, $2.000000000e+01;
	v23 =	vadd.s32 v34, v60  }
0x74: {  	v34 =	vld.idx.msk [tilespmem:v49+s14+$0x0], $0xffff;
	vm13 =	vge.f32 v14, v16  }
0x75: {  	v36 =	vmul.f32 v56, v56;
	(erf) = vrcp.f32 v50;
	v63 =	vsel vm13, $0x8, v51  }
0x76: {  	(erf) = vrcp.f32 v62;
	v52 =	vor.u32 v63, v28  }
0x77: {  	v53 =	vnsel vm1, $0xC1A00000, v32;
	v37 =	vmul.f32 v36, v55  }
0x78: {  	v35 =	vsel vm14, v35, v53;
	v55 =	vmul.f32 v40, v25;
	v54 =	vmul.f32 v31, v48;
	v56 =	vld.idx.msk [tilespmem:v23+s15+$0x0], $0xffff  }
0x79: {  	v57 =	vor.u32 $0x2, v47;
	v35 =	vsel vm10, v43, v35;
	vm14 =	vge.f32 v12, v34;
	v28 =	vld.idx.msk [tilespmem:v23+s17+$0x0], $0xffff  }
0x7a: {  	v40 =	vmul.f32 v55, v40;
	v37 =	vadd.f32 v54, v37;
	v32 =	vld.idx.msk [tilespmem:v23+s18+$0x0], $0xffff;
	v47 =	vsel vm14, v57, v47  }
0x7b: {  	v35 =	vsel vm12, v46, v35;
	v43 =	vor.u32 $0x1, v47;
	v46 =	vld.idx.msk [tilespmem:v52+s14+$0x0], $0xffff  }
0x7c: {  	v58 =	vmul.f32 v27, v27;
	v37 =	vadd.f32 v37, v40;
	v44 =	vld.idx.msk [tilespmem:v23+s19+$0x0], $0xffff;
	v59 =	vor.u32 v42, v43  }
0x7d: {  	v60 =	vsub.f32 v10, v35  }
0x7e: {  	v37 =	vmul.f32 v37, v58;
	v51 =	vpop (erf)  }
0x7f: {  	v62 =	vor.u32 $0x4, v63;
	v35 =	vpop (erf);
	v48 =	vmul.f32 v60, v56  }
0x80: {  	v61 =	vmul.f32 v37, v35;
	v37 =	vmul.f32 v28, v56;
	vm15 =	vge.f32 v14, v46  }
0x81: {  	v53 =	vadd.f32 v44, v32;
	v52 =	vld.idx.msk [tilespmem:v59+s14+$0x0], $0xffff;
	v55 =	vsel vm15, v62, v63  }
0x82: {  	v49 =	vsub.f32 $1.000000000e+00, v48;
	v54 =	vadd.f32 v37, v37;
	v63 =	vor.u32 v55, v29;
	_ =	sdelay $0x1  }
0x83: {  	v40 =	vmul.f32 v61, v35;
	v38 =	vmul.f32 v49, v48;
	v60 =	vsub.f32 v53, v54;
	_ =	sdelay $0x1  }
0x84: {  	v61 =	vand.u32 $0x7FFFFF, v40;
	v29 =	vmul.f32 v38, v60;
	vm8 =	vge.f32 v12, v52  }
0x85: {  	v53 =	vor.u32 $0x3F800000, v61;
	v43 =	vsel vm8, v43, v47;
	v50 =	vld.idx.msk [tilespmem:v63+s14+$0x0], $0xffff  }
0x86: {  	v56 =	vadd.f32 $1.000000000e+00, v53;
	v62 =	vadd.f32 v29, v37;
	v29 =	vadd.s32 v42, v43  }
0x87: {  	v39 =	vnsel vm9, $0xC1A00000, v39  }
0x88: {  	v39 =	vsel vm11, v45, v39;
	(erf) = vrcp.f32 v56  }
0x89: {  	v39 =	vsel vm14, v34, v39;
	v43 =	vmul.f32 v48, v48;
	(erf) = vrcp.f32 v62  }
0x8a: {  	v57 =	vmul.f32 v49, v32;
	v58 =	vor.u32 $0x2, v55;
	vm9 =	vge.f32 v14, v50  }
0x8b: {  	v56 =	vmul.f32 v38, v54;
	v63 =	vmul.f32 v43, v44;
	v47 =	vld.idx.msk [tilespmem:v29+s15+$0x0], $0xffff;
	v48 =	vsel vm9, v58, v55  }
0x8c: {  	v61 =	vsel vm8, v52, v39;
	v34 =	vld.idx.msk [tilespmem:v29+s17+$0x0], $0xffff;
	v52 =	vor.u32 $0x1, v48  }
0x8d: {  	v59 =	vmul.f32 v57, v49;
	v42 =	vadd.f32 v56, v63;
	v39 =	vld.idx.msk [tilespmem:v29+s18+$0x0], $0xffff;
	v63 =	vor.u32 v17, v52  }
0x8e: {  	v54 =	vld.idx.msk [tilespmem:v29+s19+$0x0], $0xffff  }
0x8f: {  	v60 =	vmul.f32 v37, v37;
	v42 =	vadd.f32 v42, v59  }
0x90: {  	v62 =	vsub.f32 v12, v61  }
0x91: {  	v55 =	vpop (erf);
	v60 =	vmul.f32 v42, v60  }
0x92: {  	v57 =	vmul.f32 v62, v47;
	v45 =	vpop (erf);
	v42 =	vmul.f32 v34, v47;
	v49 =	vld.idx.msk [tilespmem:v63+s14+$0x0], $0xffff  }
0x93: {  	v62 =	vadd.f32 v54, v39;
	v61 =	vmul.f32 v60, v45  }
0x94: {  	v47 =	vsub.f32 $1.000000000e+00, v57;
	v58 =	vadd.f32 v42, v42  }
0x95: {  	v59 =	vmul.f32 v61, v45  }
0x96: {  	v44 =	vmul.f32 v47, v57;
	v56 =	vsub.f32 v62, v58  }
0x97: {  	v60 =	vand.u32 $0x7FFFFF, v59;
	vm10 =	vge.f32 v14, v49  }
0x98: {  	v60 =	vor.u32 $0x3F800000, v60;
	v56 =	vmul.f32 v44, v56;
	v48 =	vsel vm10, v52, v48  }
0x99: {  	v61 =	vadd.f32 $1.000000000e+00, v60;
	v17 =	vadd.s32 v17, v48  }
0x9a: {  	v63 =	vadd.f32 v56, v42  }
0x9b: {  	(erf) = vrcp.f32 v61  }
0x9c: {  	v56 =	vmul.f32 v57, v57;
	(erf) = vrcp.f32 v63  }
0x9d: {  	v16 =	vnsel vm13, $0xC1A00000, v16;
	v58 =	vmul.f32 v44, v58  }
0x9e: {  	v16 =	vsel vm15, v46, v16;
	v61 =	vmul.f32 v47, v39;
	v57 =	vmul.f32 v56, v54;
	v63 =	vld.idx.msk [tilespmem:v17+s15+$0x0], $0xffff  }
0x9f: {  	v50 =	vsel vm9, v50, v16;
	v16 =	vld.idx.msk [tilespmem:v17+s17+$0x0], $0xffff  }
0xa0: {  	v47 =	vmul.f32 v61, v47;
	v62 =	vadd.f32 v58, v57;
	v58 =	vsel vm10, v49, v50;
	v49 =	vld.idx.msk [tilespmem:v17+s18+$0x0], $0xffff  }
0xa1: {  	v50 =	vld.idx.msk [tilespmem:v17+s19+$0x0], $0xffff  }
0xa2: {  	v57 =	vmul.f32 v42, v42;
	v46 =	vadd.f32 v62, v47  }
0xa3: {  	v47 =	vsub.f32 v14, v58  }
0xa4: {  	v46 =	vmul.f32 v46, v57;
	v54 =	vpop (erf)  }
0xa5: {  	v52 =	vpop (erf);
	v47 =	vmul.f32 v47, v63;
	v48 =	vmul.f32 v16, v63  }
0xa6: {  	v58 =	vadd.f32 v50, v49;
	v46 =	vmul.f32 v46, v52  }
0xa7: {  	v57 =	vsub.f32 $1.000000000e+00, v47;
	v61 =	vadd.f32 v48, v48  }
0xa8: {  	v46 =	vmul.f32 v46, v52  }
0xa9: {  	v41 =	vadd.f32 $-1.000000000e+00, v41;
	v63 =	vmul.f32 v57, v47;
	v58 =	vsub.f32 v58, v61  }
0xaa: {  	v62 =	vand.u32 $0x7FFFFF, v46  }
0xab: {  	v41 =	vmul.f32 v51, v41;
	v51 =	vor.u32 $0x3F800000, v62;
	v58 =	vmul.f32 v63, v58  }
0xac: {  	v62 =	vadd.f32 $1.000000000e+00, v51  }
0xad: {  	v20 =	vmul.f32 v24, v20;
	v2 =	vmul.f32 v41, v41;
	v58 =	vadd.f32 v58, v48  }
0xae: {  	v47 =	vmul.f32 v47, v47;
	(erf) = vrcp.f32 v62  }
0xaf: {  	v62 =	vmul.f32 $4.000000060e-01, v2;
	(erf) = vrcp.f32 v58  }
0xb0: {  	v21 =	vmul.f32 v26, v21;
	v26 =	vmul.f32 v47, v50  }
0xb1: {  	v61 =	vmul.f32 v63, v61;
	v24 =	vadd.f32 $6.666666860e-01, v62;
	v62 =	vmul.f32 v57, v49  }
0xb2: {  	v20 =	vadd.f32 v20, v21  }
0xb3: {  	v50 =	vadd.f32 v61, v26;
	v58 =	vmul.f32 v62, v57  }
0xb4: {  	v19 =	vmul.f32 v20, v19  }
0xb5: {  	v61 =	vadd.f32 $-1.000000000e+00, v53;
	v62 =	vmul.f32 v48, v48;
	v21 =	vadd.f32 v50, v58  }
0xb6: {  	v15 =	vld.idx.msk [tilespmem:v15+s16+$0x0], $0xffff;
	v19 =	vmul.f32 v30, v19  }
0xb7: {  	vm11 =	veq.f32 v11, v7;
	v20 =	vmul.f32 v55, v61;
	v21 =	vmul.f32 v21, v62;
	v30 =	vpop (erf)  }
0xb8: {  	v55 =	vmul.f32 v36, v27;
	v2 =	vmul.f32 v24, v2;
	v50 =	vshra.s32 v33, $0x17;
	v27 =	vpop (erf)  }
0xb9: {  	v25 =	vmul.f32 v31, v25;
	v26 =	vadd.s32 $0xFFFFFF81, v50;
	v21 =	vmul.f32 v21, v27  }
0xba: {  	vm12 =	veq.f32 v9, v6;
	v2 =	vadd.f32 $2.000000000e+00, v2;
	v53 =	vcvt.s32.f32 v26  }
0xbb: {  	v61 =	vadd.f32 v19, v15;
	v57 =	vmul.f32 v20, v20;
	v21 =	vmul.f32 v21, v27  }
0xbc: {  	vm13 =	veq.f32 v10, v5;
	v2 =	vmul.f32 v2, v41;
	v24 =	vmul.f32 $6.931471820e-01, v53  }
0xbd: {  	v7 =	vsel vm11, v61, v7;
	v61 =	vadd.f32 $-1.000000000e+00, v51;
	v41 =	vand.u32 $0x7FFFFF, v21  }
0xbe: {  	v58 =	vmul.f32 $4.000000060e-01, v57;
	v2 =	vadd.f32 v2, v24;
	v24 =	vor.u32 $0x3F800000, v41  }
0xbf: {  	v48 =	vmul.f32 v47, v48;
	v62 =	vadd.f32 v25, v55;
	v55 =	vadd.f32 $1.000000000e+00, v24  }
0xc0: {  	v36 =	vadd.f32 $6.666666860e-01, v58;
	v58 =	vmul.f32 v38, v32;
	v38 =	vmul.f32 v56, v42  }
0xc1: {  	v50 =	vadd.f32 $-1.000000000e+00, v60;
	v15 =	vmul.f32 v62, v22;
	(erf) = vrcp.f32 v55  }
0xc2: {  	vm14 =	veq.f32 v12, v8;
	v19 =	vmul.f32 v36, v57;
	v57 =	vmul.f32 v43, v37  }
0xc3: {  	v53 =	vshra.s32 v40, $0x17;
	v22 =	vmul.f32 v54, v50;
	v33 =	vmul.f32 v30, v61  }
0xc4: {  	v18 =	vld.idx.msk [tilespmem:v18+s16+$0x0], $0xffff;
	v37 =	vshra.s32 v59, $0x17;
	v50 =	vmul.f32 v63, v49;
	v25 =	vadd.s32 $0xFFFFFF81, v53  }
0xc5: {  	v9 =	vadd.s32 $0xFFFFFF81, v37;
	v19 =	vadd.f32 $2.000000000e+00, v19;
	v25 =	vcvt.s32.f32 v25  }
0xc6: {  	v60 =	vmul.f32 v22, v22;
	v15 =	vmul.f32 v35, v15;
	v11 =	vadd.f32 v58, v57  }
0xc7: {  	v9 =	vcvt.s32.f32 v9;
	v57 =	vshra.s32 v46, $0x17;
	v19 =	vmul.f32 v19, v20  }
0xc8: {  	v58 =	vadd.s32 $0xFFFFFF81, v57;
	v25 =	vmul.f32 $6.931471820e-01, v25;
	v62 =	vmul.f32 $4.000000060e-01, v60  }
0xc9: {  	v32 =	vadd.f32 v15, v18;
	v11 =	vmul.f32 v11, v28;
	v24 =	vadd.f32 $-1.000000000e+00, v24  }
0xca: {  	v23 =	vld.idx.msk [tilespmem:v23+s16+$0x0], $0xffff;
	v20 =	vmul.f32 v33, v33;
	v2 =	vnsel vm11, $0x0, v2;
	v9 =	vmul.f32 $6.931471820e-01, v9;
	v42 =	vpop (erf)  }
0xcb: {  	v36 =	vadd.f32 $6.666666860e-01, v62;
	v11 =	vmul.f32 v45, v11;
	v24 =	vmul.f32 v42, v24  }
0xcc: {  	v59 =	vshra.s32 v21, $0x17;
	v40 =	vmul.f32 $4.000000060e-01, v20;
	v41 =	vmul.f32 v44, v39  }
0xcd: {  	v35 =	vadd.f32 v19, v25;
	v19 =	vmul.f32 v36, v60;
	v45 =	vmul.f32 v24, v24  }
0xce: {  	v6 =	vsel vm12, v32, v6;
	v26 =	vadd.f32 $6.666666860e-01, v40;
	v44 =	vadd.f32 v41, v38  }
0xcf: {  	[tilespmem:s25+$0xFFFFFFE0] =	vst v7;
	v11 =	vadd.f32 v11, v23;
	v19 =	vadd.f32 $2.000000000e+00, v19;
	v54 =	vmul.f32 $4.000000060e-01, v45  }
0xd0: {  	[tilespmem:s24+$0xFFFFFFE0] =	vst v2;
	v2 =	vnsel vm12, $0x0, v35;
	v60 =	vadd.s32 $0xFFFFFF81, v59;
	v55 =	vadd.f32 v50, v48  }
0xd1: {  	v56 =	vld.idx.msk [tilespmem:v29+s16+$0x0], $0xffff;
	v20 =	vmul.f32 v26, v20;
	v43 =	vmul.f32 v19, v22;
	v19 =	vadd.f32 $6.666666860e-01, v54  }
0xd2: {  	v53 =	vmul.f32 v44, v34;
	v5 =	vsel vm13, v11, v5;
	v11 =	vmul.f32 v55, v16  }
0xd3: {  	v17 =	vld.idx.msk [tilespmem:v17+s16+$0x0], $0xffff;
	v16 =	vcvt.s32.f32 v58;
	v20 =	vadd.f32 $2.000000000e+00, v20;
	v7 =	vmul.f32 v19, v45  }
0xd4: {  	v61 =	vcvt.s32.f32 v60;
	v10 =	vmul.f32 v52, v53;
	v9 =	vadd.f32 v43, v9  }
0xd5: {  	[tilespmem:s25+$0xFFFFFFF0] =	vst v6;
	v6 =	vmul.f32 $6.931471820e-01, v16;
	v15 =	vmul.f32 v20, v33;
	v7 =	vadd.f32 $2.000000000e+00, v7  }
0xd6: {  	s23 =	sadd.s32 $0x50, s23;
	[tilespmem:s24+$0xFFFFFFF0] =	vst v2;
	v62 =	vmul.f32 v27, v11;
	v2 =	vadd.f32 v10, v56;
	v9 =	vnsel vm13, $0x0, v9  }
0xd7: {  	p0 =	slt.u32 s23, $0x7F80;
	[tilespmem:s25+$0x0] =	vst v5;
	v5 =	vadd.f32 v15, v6;
	v6 =	vmul.f32 v7, v24;
	v7 =	vmul.f32 $6.931471820e-01, v61  }
.Ltmp0:
0xd8: {  	v63 =	vadd.f32 v62, v17;
	v2 =	vsel vm14, v2, v8;
	[tilespmem:s24+$0x0] =	vst v9;
	(pc) =	sbr.rel @p0 .LBB2_2-.Ltmp0, $4  }
0xd9: {  	vm15 =	veq.f32 v14, v13;
	[tilespmem:s25+$0x10] =	vst v2;
	v2 =	vnsel vm14, $0x0, v5;
	v5 =	vadd.f32 v6, v7  }
0xda: {  	s29 =	simm.s32 $0x7FC0;
	s30 =	simm.s32 $0x17FD0;
	s31 =	simm.s32 $0xFFD0;
	[tilespmem:s24+$0x10] =	vst v2;
	v2 =	vsel vm15, v63, v13  }
0xdb: {  	s28 =	sadd.s32 $0x500, s28;
	s1 =	simm.s32 $0x7FD0;
	s0 =	simm.s32 $0x100;
	[tilespmem:s25+$0x20] =	vst v2;
	v2 =	vnsel vm15, $0x0, v5  }
0xdc: {  	s26 =	sadd.s32 $0x50, s26;
	v51 =	vimm.s32 $0x0;
	s25 =	sadd.s32 $0x50, s25;
	[tilespmem:s24+$0x20] =	vst v2;
	s24 =	sadd.s32 $0x50, s24  }
.LBB2_3:
0xdd: {  	v2 =	vor.u32 s0, v1;
	_ =	sdelay $0x2  }
0xde: {  	v5 =	vld [tilespmem:s1+$0x0];
	_ =	sdelay $0x1  }
0xdf: {  	v2 =	vld.idx.msk [tilespmem:v2+s14+$0x0], $0xffff;
	_ =	sdelay $0x2  }
0xe0: {  	v6 =	vmax.f32 v5, $-2.000000000e+01  }
0xe1: {  	v6 =	vmin.f32 v6, $2.000000000e+01  }
0xe2: {  	v7 =	vor.u32 s0, v0;
	vm0 =	vge.f32 v6, v2  }
0xe3: {  	v9 =	vand.u32 $0x380, v7;
	v8 =	vsel vm0, $0x8, v51  }
0xe4: {  	v10 =	vor.u32 v8, v9  }
0xe5: {  	v10 =	vor.u32 v3, v10;
	_ =	sdelay $0x4  }
0xe6: {  	v10 =	vld.idx.msk [tilespmem:v10+s14+$0x0], $0xffff;
	_ =	sdelay $0x4  }
0xe7: {  	v11 =	vor.u32 $0x4, v8;
	vm1 =	vge.f32 v6, v10  }
0xe8: {  	v8 =	vsel vm1, v11, v8  }
0xe9: {  	v9 =	vor.u32 v8, v9  }
0xea: {  	v9 =	vor.u32 v4, v9;
	_ =	sdelay $0x4  }
0xeb: {  	v9 =	vld.idx.msk [tilespmem:v9+s14+$0x0], $0xffff;
	_ =	sdelay $0x4  }
0xec: {  	v11 =	vor.u32 $0x2, v8;
	vm2 =	vge.f32 v6, v9  }
0xed: {  	v8 =	vsel vm2, v11, v8  }
0xee: {  	v11 =	vor.u32 $0x1, v8  }
0xef: {  	v12 =	vor.u32 v7, v11;
	_ =	sdelay $0x4  }
0xf0: {  	v12 =	vld.idx.msk [tilespmem:v12+s14+$0x0], $0xffff;
	_ =	sdelay $0x4  }
0xf1: {  	vm3 =	vge.f32 v6, v12  }
0xf2: {  	v8 =	vsel vm3, v11, v8  }
0xf3: {  	v7 =	vadd.s32 v7, v8;
	_ =	sdelay $0x4  }
0xf4: {  	v8 =	vld.idx.msk [tilespmem:v7+s15+$0x0], $0xffff  }
0xf5: {  	v2 =	vnsel vm0, $0xC1A00000, v2;
	v49 =	vld.idx.msk [tilespmem:v7+s17+$0x0], $0xffff  }
0xf6: {  	v2 =	vsel vm1, v10, v2;
	v50 =	vld.idx.msk [tilespmem:v7+s18+$0x0], $0xffff  }
0xf7: {  	v2 =	vsel vm2, v9, v2;
	v52 =	vld.idx.msk [tilespmem:v7+s19+$0x0], $0xffff  }
0xf8: {  	v2 =	vsel vm3, v12, v2  }
0xf9: {  	v2 =	vsub.f32 v6, v2;
	_ =	sdelay $0x1  }
0xfa: {  	v2 =	vmul.f32 v2, v8;
	v8 =	vmul.f32 v49, v8  }
0xfb: {  	v13 =	vadd.f32 v52, v50  }
0xfc: {  	v53 =	vsub.f32 $1.000000000e+00, v2;
	v14 =	vadd.f32 v8, v8;
	_ =	sdelay $0x1  }
0xfd: {  	v15 =	vmul.f32 v53, v2;
	v13 =	vsub.f32 v13, v14;
	_ =	sdelay $0x1  }
0xfe: {  	v13 =	vmul.f32 v15, v13;
	_ =	sdelay $0x1  }
0xff: {  	v13 =	vadd.f32 v13, v8;
	_ =	sdelay $0x1  }
0x100: {  	v2 =	vmul.f32 v2, v2;
	(erf) = vrcp.f32 v13  }
0x101: {  	v55 =	vmul.f32 v53, v50  }
0x102: {  	v11 =	vmul.f32 v2, v52;
	v54 =	vmul.f32 v15, v14;
	_ =	sdelay $0x1  }
0x103: {  	v12 =	vmul.f32 v55, v53;
	v11 =	vadd.f32 v54, v11;
	_ =	sdelay $0x1  }
0x104: {  	v56 =	vmul.f32 v8, v8;
	v11 =	vadd.f32 v11, v12;
	_ =	sdelay $0x1  }
0x105: {  	v11 =	vmul.f32 v11, v56  }
0x106: {  	v57 =	vpop (erf)  }
0x107: {  	v11 =	vmul.f32 v11, v57;
	_ =	sdelay $0x1  }
0x108: {  	v11 =	vmul.f32 v11, v57;
	_ =	sdelay $0x1  }
0x109: {  	v58 =	vand.u32 $0x7FFFFF, v11  }
0x10a: {  	v13 =	vor.u32 $0x3F800000, v58  }
0x10b: {  	v59 =	vadd.f32 $1.000000000e+00, v13;
	_ =	sdelay $0x1  }
0x10c: {  	(erf) = vrcp.f32 v59;
	_ =	sdelay $0x7  }
0x10d: {  	v13 =	vadd.f32 $-1.000000000e+00, v13  }
0x10e: {  	v14 =	vpop (erf)  }
0x10f: {  	v13 =	vmul.f32 v14, v13;
	_ =	sdelay $0x1  }
0x110: {  	v14 =	vmul.f32 v13, v13;
	_ =	sdelay $0x1  }
0x111: {  	v16 =	vmul.f32 $4.000000060e-01, v14  }
0x112: {  	v2 =	vmul.f32 v2, v8;
	v60 =	vmul.f32 v15, v50  }
0x113: {  	v61 =	vadd.f32 $6.666666860e-01, v16  }
0x114: {  	v2 =	vadd.f32 v60, v2  }
0x115: {  	v7 =	vld.idx.msk [tilespmem:v7+s16+$0x0], $0xffff;
	v62 =	vshra.s32 v11, $0x17;
	v10 =	vmul.f32 v61, v14  }
0x116: {  	v2 =	vmul.f32 v2, v49;
	v8 =	vadd.s32 $0xFFFFFF81, v62  }
0x117: {  	v8 =	vcvt.s32.f32 v8;
	v63 =	vadd.f32 $2.000000000e+00, v10  }
0x118: {  	s29 =	sadd.s32 $0x10, s29;
	v2 =	vmul.f32 v57, v2  }
0x119: {  	p0 =	slt.u32 s29, $0x7FF0;
	v8 =	vmul.f32 $6.931471820e-01, v8;
	v9 =	vmul.f32 v63, v13  }
.Ltmp1:
0x11a: {  	v2 =	vadd.f32 v2, v7;
	(pc) =	sbr.rel @p0 .LBB2_3-.Ltmp1, $4  }
0x11b: {  	vm15 =	veq.f32 v6, v5;
	v6 =	vadd.f32 v9, v8  }
0x11c: {  	v2 =	vsel vm15, v2, v5  }
0x11d: {  	s0 =	sadd.s32 $0x100, s0;
	[tilespmem:s31+$0x0] =	vst v2;
	v2 =	vnsel vm15, $0x0, v6  }
0x11e: {  	s1 =	sadd.s32 $0x10, s1;
	s31 =	sadd.s32 $0x10, s31;
	[tilespmem:s30+$0x0] =	vst v2;
	s30 =	sadd.s32 $0x10, s30  }
0x11f: {  	[hbm4b:s10+s2] =	stream.linear.scatter [tilespmem:s20], [sflag:$0x1], $0x8000, $0x38;
	[tilespmem:$0x19800] =	vst v63  }
0x120: {  	s22 =	sadd.s32 $0x1, s22;
	_ =	swait.ge [sflag:s13], $0x8000  }
0x121: {  	p0 =	sne.s32 s22, s12;
	[sflag:s13] =	ssyncset.done $0x0  }
.Ltmp2:
0x122: {  	[sflag:s13] =	ssyncadd.s32 $0xFFFF8000;
	(pc) =	sbr.rel @p0 .LBB2_1-.Ltmp2, $4  }
0x123: {  	[hbm4b:s11+s2] =	stream.linear.scatter [tilespmem:s21], [sflag:$0x1], $0x8000, $0x38;
	[tilespmem:$0x19800] =	vst v63  }
0x124: {  	_ =	swait.ge [sflag:s13], $0x8000  }
0x125: {  	[sflag:s13] =	ssyncset.done $0x0  }
0x126: {  	[sflag:s13] =	ssyncadd.s32 $0xFFFF8000  }
0x127: {  	_ =	sfence.sel $0x180000  }
0x128: {  	[bflag:$0x0] =	sbarrier.arrive $0xFFFF  }
0x129: {  	_ =	strace $0x90000047  }
0x12a: {  	s0 =	stileid.u32;
	[bflag:$0x2] =	sbarrier.arrive $0xFFFF  }
0x12b: {  	p0 =	sne.s32 s0, $0x0;
	s0 =	rddreg [dreg:$0x3]  }
0x12c: {  	s0 =	sadd.s32 @!p0 $0x100000, s0  }
0x12d: {  	[sflag:s0] =	ssyncadd.tile.s32 @!p0 $0x1;
	_ =	shalt  }
.Lfunc_end2:
_tile_overlayer_lowered:
.L_overlay_start_2:
0x12e: {  	(tag) =	ssettag $0x2  }
0x12f: {  	s0 =	rddreg [dreg:$0x0];
	s2 =	stileid.u32  }
0x130: {  	s1 =	rddreg [dreg:$0x1];
	p0 =	sne.s32 s2, $0x0  }
0x131: {  	s3 =	rddreg [dreg:$0x2];
	[bflag:$0x3] =	sbarrier.arrive $0xFFFF;
	s2 =	simm.s32 @!p0 $0x1C01  }
0x132: {  	[timem:s3], [sflag:s2] =	dma.local @!p0 [hbm:s0], s1  }
0x133: {  	s0 =	simm.s32 @!p0 $0x1  }
0x134: {  	_ =	swait.ge @!p0 [sflag:s0], s1  }
0x135: {  	s1 =	ssub.s32 @!p0 $0x0, s1;
	[sflag:s0] =	ssyncset.done @!p0 $0x0  }
0x136: {  	[sflag:s0] =	ssyncadd.s32 @!p0 s1  }
0x137: {  	[bflag:$0x3] =	sbarrier.arrive $0xFFFF  }
0x138: {  	_ =	shalt  }

</sc_bundles>
